<compile_context>
chip_gen: v7x
topology: tpu7x:2x2x1
jax: 0.10.2.dev20260603
libtpu: 0.0.44.dev20260713+nightly
codegen_flags: <defaults>
</compile_context>

<pallas_src>
import functools

import jax
import jax.numpy as jnp
from jax import lax
from jax.experimental import pallas as pl
from jax.experimental.pallas import tpu as pltpu
from jax.experimental.pallas import tpu_sc as plsc

N_NODES = 10000
N_EDGES = 160000
VHS = 100
VW = 128
NVT = 3
CHS = 30

NC = 2
NS = 16
NW = NC * NS
CHUNK = 128
NCHUNK = (N_EDGES + NW * CHUNK - 1) // (NW * CHUNK)
E_PAD = NW * NCHUNK * CHUNK
ROWS_PER_TILE = 640
ACC_ROWS = NS * ROWS_PER_TILE

BR = 2000
GRID = N_NODES // BR



NBUF = 2


def _sc_scatter_body(m_hbm, src_hbm, dst_hbm, zeros_hbm, part_hbm,
                     src_v, dst_v, rows, acc, gsems, ssems):
    c = lax.axis_index("c")
    s = lax.axis_index("s")
    wid = s * NC + c

    pltpu.sync_copy(src_hbm.at[wid], src_v)
    pltpu.sync_copy(dst_hbm.at[wid], dst_v)
    pltpu.sync_copy(zeros_hbm, acc.at[pl.ds(s * ROWS_PER_TILE, ROWS_PER_TILE)])
    plsc.subcore_barrier()

    for k in range(NBUF):
        pltpu.async_copy(m_hbm.at[src_v.at[k]], rows[k], gsems[k])

    def quad(j0, refill):
        for k in range(NBUF):
            pltpu.make_async_copy(m_hbm.at[src_v.at[0]], rows[k],
                                  gsems[k]).wait()
            pltpu.async_copy(rows[k], acc.at[dst_v.at[j0 + k]], ssems[k],
                             add=True)
        for k in range(NBUF):
            pltpu.make_async_copy(rows[k], acc.at[dst_v.at[0]],
                                  ssems[k]).wait()
            if refill:
                pltpu.async_copy(m_hbm.at[src_v.at[j0 + NBUF + k]], rows[k],
                                 gsems[k])

    def body(jj, carry):
        quad(NBUF * jj, True)
        return carry

    lax.fori_loop(0, NCHUNK // NBUF - 1, body, 0)
    quad(NCHUNK - NBUF, False)
    plsc.subcore_barrier()
    pltpu.sync_copy(acc.at[pl.ds(s * ROWS_PER_TILE, ROWS_PER_TILE)],
                    part_hbm.at[c, pl.ds(s * ROWS_PER_TILE, ROWS_PER_TILE)])


@functools.cache
def _make_sc_scatter():
    return functools.partial(
        pl.kernel,
        out_type=jax.ShapeDtypeStruct((NC, ACC_ROWS, VW), jnp.float32),
        mesh=plsc.VectorSubcoreMesh(core_axis_name="c", subcore_axis_name="s",
                                    num_cores=NC, num_subcores=NS),
        scratch_types=[
            pltpu.VMEM((NCHUNK, CHUNK), jnp.int32),
            pltpu.VMEM((NCHUNK, CHUNK), jnp.int32),
            [pltpu.VMEM((CHUNK, VW), jnp.float32)] * NBUF,
            pltpu.VMEM_SHARED((ACC_ROWS, VW), jnp.float32),
            [pltpu.SemaphoreType.DMA] * NBUF,
            [pltpu.SemaphoreType.DMA] * NBUF,
        ],
    )(_sc_scatter_body)



def _dot(a, b):
    return jnp.dot(a, b, preferred_element_type=jnp.float32)


def _msg_and_proj(h, wg, bg, wm, wp, bp, m_ref, inp_ref):
    m = jax.nn.sigmoid(_dot(h, wg[...]) + bg[...]) * _dot(h, wm[...])
    m_ref[...] = jnp.concatenate(
        [m, jnp.zeros((m.shape[0], VW - VHS), jnp.float32)],
        axis=1)
    inp_ref[...] = _dot(h, wp[...]) + bp[...]


def _tc_round0_body(x_ref, wir, wiz, win, bir, biz, bin_, bhr, bhz, bhn,
                    wg, bg, wm, wp, bp, m_ref, inp_ref):
    x = x_ref[...]
    ir = _dot(x, wir[...]) + bir[...]
    iz = _dot(x, wiz[...]) + biz[...]
    inn = _dot(x, win[...]) + bin_[...]
    r = jax.nn.sigmoid(ir + bhr[...])
    z = jax.nn.sigmoid(iz + bhz[...])
    n = jnp.tanh(inn + r * bhn[...])
    h = (1.0 - z) * n
    _msg_and_proj(h, wg, bg, wm, wp, bp, m_ref, inp_ref)


def _gru_from_parts(inp_ref, p0_ref, p1_ref, wir, wiz, win, bir, biz, bin_,
                    whr, whz, whn, bhr, bhz, bhn):
    ps = (p0_ref[0].astype(jnp.float32)
          + p1_ref[0].astype(jnp.float32))
    inp = inp_ref[...]
    ir = _dot(inp, wir[...]) + bir[...]
    iz = _dot(inp, wiz[...]) + biz[...]
    inn = _dot(inp, win[...]) + bin_[...]
    hr = _dot(ps, whr[...]) + bhr[...]
    hz = _dot(ps, whz[...]) + bhz[...]
    hn = _dot(ps, whn[...]) + bhn[...]
    r = jax.nn.sigmoid(ir + hr)
    z = jax.nn.sigmoid(iz + hz)
    n = jnp.tanh(inn + r * hn)
    return (1.0 - z) * n + z * ps[:, :VHS]


def _tc_round_body(inp_ref, p0_ref, p1_ref, wir, wiz, win, bir, biz, bin_,
                   whr, whz, whn, bhr, bhz, bhn, wg, bg, wm, wp, bp,
                   m_ref, inp2_ref):
    h = _gru_from_parts(inp_ref, p0_ref, p1_ref, wir, wiz, win, bir, biz,
                        bin_, whr, whz, whn, bhr, bhz, bhn)
    _msg_and_proj(h, wg, bg, wm, wp, bp, m_ref, inp2_ref)


def _tc_final_body(inp_ref, p0_ref, p1_ref, wir, wiz, win, bir, biz, bin_,
                   whr, whz, whn, bhr, bhz, bhn, wc1, bc1, wc2, bc2, out_ref):
    h = _gru_from_parts(inp_ref, p0_ref, p1_ref, wir, wiz, win, bir, biz,
                        bin_, whr, whz, whn, bhr, bhz, bhn)
    hid = jax.nn.relu(_dot(h, wc1[...]) + bc1[...])
    out_ref[...] = jax.nn.sigmoid(_dot(hid, wc2[...]) + bc2[...])


def _full(shape):
    return pl.BlockSpec(shape, lambda i: (0,) * len(shape))


def _rows(width):
    return pl.BlockSpec((BR, width), lambda i: (i, 0))


def _part_spec(core):
    return pl.BlockSpec((1, BR, VW), lambda i, c=core: (c, i, 0))


def kernel(x, edge_index, W_ih, b_ih, W_hh, b_hh, Wg, bg, Wm, Wp, bp,
           Wc1, bc1, Wc2, bc2):
    f32 = jnp.float32

    wihT = W_ih.T
    wir, wiz, win = (wihT[:, :VHS], wihT[:, VHS:2 * VHS], wihT[:, 2 * VHS:])
    whhT = W_hh.T
    pad_w = ((0, VW - VHS), (0, 0))
    whr = jnp.pad(whhT[:, :VHS], pad_w)
    whz = jnp.pad(whhT[:, VHS:2 * VHS], pad_w)
    whn = jnp.pad(whhT[:, 2 * VHS:], pad_w)
    bir, biz, bin_ = (b_ih[:VHS].reshape(1, VHS),
                      b_ih[VHS:2 * VHS].reshape(1, VHS),
                      b_ih[2 * VHS:].reshape(1, VHS))
    bhr, bhz, bhn = (b_hh[:VHS].reshape(1, VHS),
                     b_hh[VHS:2 * VHS].reshape(1, VHS),
                     b_hh[2 * VHS:].reshape(1, VHS))
    wg, wm, wp = Wg.T, Wm.T, Wp.T
    bg2, bp2 = bg.reshape(1, VHS), bp.reshape(1, NVT)
    wc1, wc2 = Wc1.T, Wc2.T
    bc12, bc22 = bc1.reshape(1, CHS), bc2.reshape(1, 1)

    pad_e = E_PAD - N_EDGES
    src3 = jnp.concatenate(
        [edge_index[0], jnp.zeros((pad_e,), jnp.int32)]).reshape(
            NW, NCHUNK, CHUNK)
    dst3 = jnp.concatenate(
        [edge_index[1], jnp.full((pad_e,), N_NODES, jnp.int32)]).reshape(
            NW, NCHUNK, CHUNK)
    zeros_tile = jnp.zeros((ROWS_PER_TILE, VW), jnp.float32)

    gru_w = (wir, wiz, win, bir, biz, bin_)
    gru_h = (whr, whz, whn, bhr, bhz, bhn)
    msg_w = (wg, bg2, wm, wp, bp2)

    gru_w_specs = [_full((NVT, VHS))] * 3 + [_full((1, VHS))] * 3
    gru_h_specs = [_full((VW, VHS))] * 3 + [_full((1, VHS))] * 3
    msg_specs = [_full((VHS, VHS)), _full((1, VHS)), _full((VHS, VHS)),
                 _full((VHS, NVT)), _full((1, NVT))]

    m_shape = jax.ShapeDtypeStruct((N_NODES, VW), jnp.float32)

    inp_shape = jax.ShapeDtypeStruct((N_NODES, NVT), f32)

    m1, inp1 = pl.pallas_call(
        _tc_round0_body,
        grid=(GRID,),
        in_specs=[_rows(NVT)] + gru_w_specs + gru_h_specs[3:] + msg_specs,
        out_specs=[_rows(VW), _rows(NVT)],
        out_shape=[m_shape, inp_shape],
    )(x, *gru_w, *gru_h[3:], *msg_w)

    sc_scatter = _make_sc_scatter()
    parts1 = sc_scatter(m1, src3, dst3, zeros_tile)
    m2, inp2 = pl.pallas_call(
        _tc_round_body,
        grid=(GRID,),
        in_specs=([_rows(NVT), _part_spec(0), _part_spec(1)]
                  + gru_w_specs + gru_h_specs + msg_specs),
        out_specs=[_rows(VW), _rows(NVT)],
        out_shape=[m_shape, inp_shape],
    )(inp1, parts1, parts1, *gru_w, *gru_h, *msg_w)

    parts2 = sc_scatter(m2, src3, dst3, zeros_tile)
    out = pl.pallas_call(
        _tc_final_body,
        grid=(GRID,),
        in_specs=([_rows(NVT), _part_spec(0), _part_spec(1)]
                  + gru_w_specs + gru_h_specs
                  + [_full((VHS, CHS)), _full((1, CHS)),
                     _full((CHS, 1)), _full((1, 1))]),
        out_specs=[_rows(1)],
        out_shape=[jax.ShapeDtypeStruct((N_NODES, 1), f32)],
    )(inp2, parts2, parts2, *gru_w, *gru_h, wc1, bc12, wc2, bc22)[0]

    return out

# --- scband reference (transcript-rebuilt; emitter-appended) ---
"""Pipeline reference for scband-dgdagrnn-58763742544948 (READ-ONLY COPY).

The authoritative reference and input builder live on the scoring server;
editing this copy changes nothing except your own understanding.
"""

import jax, jax.numpy as jnp
import numpy as np

NROUNDS = 3
NVT = 3
VHS = 100
CHS = 30
N_NODES = 10000
N_EDGES = 160000


def setup_inputs(seed: int = 0) -> dict:
    key = jax.random.key(seed)
    ks = jax.random.split(key, 16)

    def lin(k, shape, fan_in):
        return (jax.random.normal(k, shape, dtype=jnp.float32) / np.sqrt(fan_in)).astype(jnp.float32)

    x = jax.random.normal(ks[0], (N_NODES, NVT), dtype=jnp.float32)
    edge_index = jax.random.randint(ks[1], (2, N_EDGES), 0, N_NODES, dtype=jnp.int32)
    return {
        "x": x,
        "edge_index": edge_index,
        # grue_forward: nn.GRUCell(nvt, vhs)
        "W_ih": lin(ks[2], (3 * VHS, NVT), NVT),
        "b_ih": jnp.zeros((3 * VHS,), dtype=jnp.float32),
        "W_hh": lin(ks[3], (3 * VHS, VHS), VHS),
        "b_hh": jnp.zeros((3 * VHS,), dtype=jnp.float32),
        # gate_forward: Linear(vhs, vhs) + Sigmoid
        "Wg": lin(ks[4], (VHS, VHS), VHS),
        "bg": jnp.zeros((VHS,), dtype=jnp.float32),
        # mapper_forward: Linear(vhs, vhs, bias=False)
        "Wm": lin(ks[5], (VHS, VHS), VHS),
        # projector: Linear(vhs, nvt)
        "Wp": lin(ks[6], (NVT, VHS), VHS),
        "bp": jnp.zeros((NVT,), dtype=jnp.float32),
        # literal_classifier: Linear(vhs, chs) -> ReLU -> Linear(chs, 1) -> Sigmoid
        "Wc1": lin(ks[7], (CHS, VHS), VHS),
        "bc1": jnp.zeros((CHS,), dtype=jnp.float32),
        "Wc2": lin(ks[8], (1, CHS), CHS),
        "bc2": jnp.zeros((1,), dtype=jnp.float32),
    }


def _gru_cell(inp, hidden, W_ih, b_ih, W_hh, b_hh):
    gi = inp @ W_ih.T + b_ih
    gh = hidden @ W_hh.T + b_hh
    i_r, i_z, i_n = jnp.split(gi, 3, axis=1)
    h_r, h_z, h_n = jnp.split(gh, 3, axis=1)
    r = jax.nn.sigmoid(i_r + h_r)
    z = jax.nn.sigmoid(i_z + h_z)
    n = jnp.tanh(i_n + r * h_n)
    return (1.0 - z) * n + z * hidden


def reference(x, edge_index, W_ih, b_ih, W_hh, b_hh, Wg, bg, Wm, Wp, bp, Wc1, bc1, Wc2, bc2):
    N = x.shape[0]
    src = edge_index[0]
    dst = edge_index[1]
    h = jnp.zeros((N, VHS), dtype=jnp.float32)
    for r_idx in range(NROUNDS):
        if r_idx == 0:
            inp = x
        else:
            inp = h @ Wp.T + bp  # projector: x_hat = projector(h)
        # GatedSumConv message: gate(h_j) * mapper(h_j), scatter-add to dst
        h_j = h[src]
        msg = jax.nn.sigmoid(h_j @ Wg.T + bg) * (h_j @ Wm.T)
        ps_h = jax.ops.segment_sum(msg, dst, num_segments=N)
        h = _gru_cell(inp, ps_h, W_ih, b_ih, W_hh, b_hh)
    # literal classifier head
    hid = jax.nn.relu(h @ Wc1.T + bc1)
    out = jax.nn.sigmoid(hid @ Wc2.T + bc2)
    return out

if __name__ == "__main__":
    import jax
    _d = setup_inputs()
    print(jax.jit(kernel)(*tuple(_d.values())))

</pallas_src>

<mosaic_0001>
#map = affine_map<(d0, d1) -> (0, 0)>
#map1 = affine_map<(d0, d1) -> (0, 0, 0)>
module attributes {stable_mosaic.version = 14 : i64} {
  func.func @_sc_scatter_body(%arg0: i32, %arg1: i32, %arg2: memref<10000x128xf32, #tpu.memory_space<hbm>>, %arg3: memref<32x40x128xi32, #tpu.memory_space<hbm>>, %arg4: memref<32x40x128xi32, #tpu.memory_space<hbm>>, %arg5: memref<640x128xf32, #tpu.memory_space<hbm>>, %arg6: memref<2x10240x128xf32, #tpu.memory_space<hbm>>, %arg7: memref<40x128xi32, #tpu.memory_space<vmem>>, %arg8: memref<40x128xi32, #tpu.memory_space<vmem>>, %arg9: memref<128x128xf32, #tpu.memory_space<vmem>>, %arg10: memref<128x128xf32, #tpu.memory_space<vmem>>, %arg11: memref<10240x128xf32, #tpu.memory_space<vmem_shared>>, %arg12: memref<!tpu.dma_semaphore, #tpu.memory_space<semaphore_mem>>, %arg13: memref<!tpu.dma_semaphore, #tpu.memory_space<semaphore_mem>>, %arg14: memref<!tpu.dma_semaphore, #tpu.memory_space<semaphore_mem>>, %arg15: memref<!tpu.dma_semaphore, #tpu.memory_space<semaphore_mem>>) attributes {dimension_semantics = [#tpu.dimension_semantics<core_parallel>, #tpu.dimension_semantics<subcore_parallel>], iteration_bounds = array<i64: 2, 16>, scalar_prefetch = 0 : i64, scratch_operands = 9 : i64, tpu.core_type = #tpu.core_type<sc_vector_subcore>, window_params = [{transform_indices = #map}, {transform_indices = #map1}, {transform_indices = #map1}, {transform_indices = #map}, {transform_indices = #map1}]} {
    %mul3A = arith.constant 2 : i32
    %mul3A_0 = arith.muli %arg1, %mul3A : i32
    %add3A = arith.addi %mul3A_0, %arg0 : i32
    "tpu.region"() ({
      %run_scoped3A = tpu.sem_alloc : memref<!tpu.dma_semaphore, #tpu.memory_space<semaphore_mem>>
      %dma_start3A_67 = arith.constant 0 : i32
      %dma_start3A_68 = arith.constant 0 : i32
      %dma_start3A_69 = tpu.memref_slice %arg3[%add3A, %dma_start3A_67, %dma_start3A_68] : memref<32x40x128xi32, #tpu.memory_space<hbm>> -> memref<1x40x128xi32, #tpu.memory_space<hbm>>
      %dma_start3A_70 = tpu.memref_squeeze %dma_start3A_69 : memref<1x40x128xi32, #tpu.memory_space<hbm>> -> memref<40x128xi32, #tpu.memory_space<hbm>>
      %dma_start3A_71 = arith.constant 0 : i32
      %dma_start3A_72 = arith.constant 0 : i32
      %dma_start3A_73 = tpu.memref_slice %arg3[%add3A, %dma_start3A_71, %dma_start3A_72] : memref<32x40x128xi32, #tpu.memory_space<hbm>> -> memref<1x40x128xi32, #tpu.memory_space<hbm>>
      %dma_start3A_74 = tpu.memref_squeeze %dma_start3A_73 : memref<1x40x128xi32, #tpu.memory_space<hbm>> -> memref<40x128xi32, #tpu.memory_space<hbm>>
      tpu.enqueue_dma source(%dma_start3A_74 : memref<40x128xi32, #tpu.memory_space<hbm>>) target(%arg7 : memref<40x128xi32, #tpu.memory_space<vmem>>) target_semaphore(%run_scoped3A : memref<!tpu.dma_semaphore, #tpu.memory_space<semaphore_mem>>)
      %dma_wait3A_75 = arith.constant 0 : i32
      %dma_wait3A_76 = arith.constant 0 : i32
      %dma_wait3A_77 = tpu.memref_slice %arg3[%add3A, %dma_wait3A_75, %dma_wait3A_76] : memref<32x40x128xi32, #tpu.memory_space<hbm>> -> memref<1x40x128xi32, #tpu.memory_space<hbm>>
      %dma_wait3A_78 = tpu.memref_squeeze %dma_wait3A_77 : memref<1x40x128xi32, #tpu.memory_space<hbm>> -> memref<40x128xi32, #tpu.memory_space<hbm>>
      %dma_wait3A_79 = arith.constant 0 : i32
      %dma_wait3A_80 = arith.constant 0 : i32
      %dma_wait3A_81 = tpu.memref_slice %arg3[%add3A, %dma_wait3A_79, %dma_wait3A_80] : memref<32x40x128xi32, #tpu.memory_space<hbm>> -> memref<1x40x128xi32, #tpu.memory_space<hbm>>
      %dma_wait3A_82 = tpu.memref_squeeze %dma_wait3A_81 : memref<1x40x128xi32, #tpu.memory_space<hbm>> -> memref<40x128xi32, #tpu.memory_space<hbm>>
      tpu.wait_dma2 semaphore(%run_scoped3A : memref<!tpu.dma_semaphore, #tpu.memory_space<semaphore_mem>>) src(%dma_wait3A_82 : memref<40x128xi32, #tpu.memory_space<hbm>>) dst(%arg7 : memref<40x128xi32, #tpu.memory_space<vmem>>)
      tpu.yield
    }) : () -> ()
    "tpu.region"() ({
      %run_scoped3A = tpu.sem_alloc : memref<!tpu.dma_semaphore, #tpu.memory_space<semaphore_mem>>
      %dma_start3A_67 = arith.constant 0 : i32
      %dma_start3A_68 = arith.constant 0 : i32
      %dma_start3A_69 = tpu.memref_slice %arg4[%add3A, %dma_start3A_67, %dma_start3A_68] : memref<32x40x128xi32, #tpu.memory_space<hbm>> -> memref<1x40x128xi32, #tpu.memory_space<hbm>>
      %dma_start3A_70 = tpu.memref_squeeze %dma_start3A_69 : memref<1x40x128xi32, #tpu.memory_space<hbm>> -> memref<40x128xi32, #tpu.memory_space<hbm>>
      %dma_start3A_71 = arith.constant 0 : i32
      %dma_start3A_72 = arith.constant 0 : i32
      %dma_start3A_73 = tpu.memref_slice %arg4[%add3A, %dma_start3A_71, %dma_start3A_72] : memref<32x40x128xi32, #tpu.memory_space<hbm>> -> memref<1x40x128xi32, #tpu.memory_space<hbm>>
      %dma_start3A_74 = tpu.memref_squeeze %dma_start3A_73 : memref<1x40x128xi32, #tpu.memory_space<hbm>> -> memref<40x128xi32, #tpu.memory_space<hbm>>
      tpu.enqueue_dma source(%dma_start3A_74 : memref<40x128xi32, #tpu.memory_space<hbm>>) target(%arg8 : memref<40x128xi32, #tpu.memory_space<vmem>>) target_semaphore(%run_scoped3A : memref<!tpu.dma_semaphore, #tpu.memory_space<semaphore_mem>>)
      %dma_wait3A_75 = arith.constant 0 : i32
      %dma_wait3A_76 = arith.constant 0 : i32
      %dma_wait3A_77 = tpu.memref_slice %arg4[%add3A, %dma_wait3A_75, %dma_wait3A_76] : memref<32x40x128xi32, #tpu.memory_space<hbm>> -> memref<1x40x128xi32, #tpu.memory_space<hbm>>
      %dma_wait3A_78 = tpu.memref_squeeze %dma_wait3A_77 : memref<1x40x128xi32, #tpu.memory_space<hbm>> -> memref<40x128xi32, #tpu.memory_space<hbm>>
      %dma_wait3A_79 = arith.constant 0 : i32
      %dma_wait3A_80 = arith.constant 0 : i32
      %dma_wait3A_81 = tpu.memref_slice %arg4[%add3A, %dma_wait3A_79, %dma_wait3A_80] : memref<32x40x128xi32, #tpu.memory_space<hbm>> -> memref<1x40x128xi32, #tpu.memory_space<hbm>>
      %dma_wait3A_82 = tpu.memref_squeeze %dma_wait3A_81 : memref<1x40x128xi32, #tpu.memory_space<hbm>> -> memref<40x128xi32, #tpu.memory_space<hbm>>
      tpu.wait_dma2 semaphore(%run_scoped3A : memref<!tpu.dma_semaphore, #tpu.memory_space<semaphore_mem>>) src(%dma_wait3A_82 : memref<40x128xi32, #tpu.memory_space<hbm>>) dst(%arg8 : memref<40x128xi32, #tpu.memory_space<vmem>>)
      tpu.yield
    }) : () -> ()
    %mul3A_1 = arith.constant 640 : i32
    %mul3A_2 = arith.muli %arg1, %mul3A_1 : i32
    "tpu.region"() ({
      %run_scoped3A = tpu.sem_alloc : memref<!tpu.dma_semaphore, #tpu.memory_space<semaphore_mem>>
      %dma_start3A_67 = arith.constant 0 : i32
      %dma_start3A_68 = tpu.memref_slice %arg11[%mul3A_2, %dma_start3A_67] : memref<10240x128xf32, #tpu.memory_space<vmem_shared>> -> memref<640x128xf32, #tpu.memory_space<vmem_shared>>
      tpu.enqueue_dma source(%arg5 : memref<640x128xf32, #tpu.memory_space<hbm>>) target(%dma_start3A_68 : memref<640x128xf32, #tpu.memory_space<vmem_shared>>) target_semaphore(%run_scoped3A : memref<!tpu.dma_semaphore, #tpu.memory_space<semaphore_mem>>)
      %dma_wait3A_69 = arith.constant 0 : i32
      %dma_wait3A_70 = tpu.memref_slice %arg11[%mul3A_2, %dma_wait3A_69] : memref<10240x128xf32, #tpu.memory_space<vmem_shared>> -> memref<640x128xf32, #tpu.memory_space<vmem_shared>>
      tpu.wait_dma2 semaphore(%run_scoped3A : memref<!tpu.dma_semaphore, #tpu.memory_space<semaphore_mem>>) src(%arg5 : memref<640x128xf32, #tpu.memory_space<hbm>>) dst(%dma_wait3A_70 : memref<640x128xf32, #tpu.memory_space<vmem_shared>>)
      tpu.yield
    }) : () -> ()
    %barrier3A = arith.constant 0 : index
    tpu.barrier barrier_id(%barrier3A)
    %dma_start3A = arith.constant 0 : i32
    %dma_start3A_3 = arith.constant 0 : i32
    %dma_start3A_4 = tpu.memref_slice %arg7[%dma_start3A, %dma_start3A_3] : memref<40x128xi32, #tpu.memory_space<vmem>> -> memref<1x128xi32, #tpu.memory_space<vmem>>
    %dma_start3A_5 = tpu.memref_squeeze %dma_start3A_4 : memref<1x128xi32, #tpu.memory_space<vmem>> -> memref<128xi32, #tpu.memory_space<vmem>>
    %dma_start3A_6 = arith.constant 0 : i32
    %dma_start3A_7 = arith.constant 0 : i32
    %dma_start3A_8 = tpu.memref_slice %arg2[%dma_start3A_6, %dma_start3A_7] : memref<10000x128xf32, #tpu.memory_space<hbm>> -> memref<10000x128xf32, #tpu.memory_space<hbm>>
    tpu.enqueue_indirect_dma source(%dma_start3A_8 : memref<10000x128xf32, #tpu.memory_space<hbm>>) target(%arg9 : memref<128x128xf32, #tpu.memory_space<vmem>>) offsets(%dma_start3A_5 : memref<128xi32, #tpu.memory_space<vmem>>) semaphore(%arg12 : memref<!tpu.dma_semaphore, #tpu.memory_space<semaphore_mem>>)
    %dma_start3A_9 = arith.constant 1 : i32
    %dma_start3A_10 = arith.constant 0 : i32
    %dma_start3A_11 = tpu.memref_slice %arg7[%dma_start3A_9, %dma_start3A_10] : memref<40x128xi32, #tpu.memory_space<vmem>> -> memref<1x128xi32, #tpu.memory_space<vmem>>
    %dma_start3A_12 = tpu.memref_squeeze %dma_start3A_11 : memref<1x128xi32, #tpu.memory_space<vmem>> -> memref<128xi32, #tpu.memory_space<vmem>>
    %dma_start3A_13 = arith.constant 0 : i32
    %dma_start3A_14 = arith.constant 0 : i32
    %dma_start3A_15 = tpu.memref_slice %arg2[%dma_start3A_13, %dma_start3A_14] : memref<10000x128xf32, #tpu.memory_space<hbm>> -> memref<10000x128xf32, #tpu.memory_space<hbm>>
    tpu.enqueue_indirect_dma source(%dma_start3A_15 : memref<10000x128xf32, #tpu.memory_space<hbm>>) target(%arg10 : memref<128x128xf32, #tpu.memory_space<vmem>>) offsets(%dma_start3A_12 : memref<128xi32, #tpu.memory_space<vmem>>) semaphore(%arg13 : memref<!tpu.dma_semaphore, #tpu.memory_space<semaphore_mem>>)
    %scan3A = arith.constant 0 : i32
    %scan3A_16 = arith.constant 0 : i32
    %scan3A_17 = arith.constant 19 : i32
    %scan3A_18 = arith.addi %scan3A_16, %scan3A_17 : i32
    %scan3A_19 = arith.constant 1 : i32
    scf.for %scan3A_67 = %scan3A_16 to %scan3A_18 step %scan3A_19  : i32 {
      %mul3A_68 = arith.constant 2 : i32
      %mul3A_69 = arith.muli %mul3A_68, %scan3A_67 : i32
      %dma_wait3A_70 = arith.constant 0 : i32
      %dma_wait3A_71 = arith.constant 0 : i32
      %dma_wait3A_72 = tpu.memref_slice %arg7[%dma_wait3A_70, %dma_wait3A_71] : memref<40x128xi32, #tpu.memory_space<vmem>> -> memref<1x128xi32, #tpu.memory_space<vmem>>
      %dma_wait3A_73 = tpu.memref_squeeze %dma_wait3A_72 : memref<1x128xi32, #tpu.memory_space<vmem>> -> memref<128xi32, #tpu.memory_space<vmem>>
      %dma_wait3A_74 = arith.constant 0 : i32
      %dma_wait3A_75 = arith.constant 0 : i32
      %dma_wait3A_76 = tpu.memref_slice %arg2[%dma_wait3A_74, %dma_wait3A_75] : memref<10000x128xf32, #tpu.memory_space<hbm>> -> memref<10000x128xf32, #tpu.memory_space<hbm>>
      tpu.wait_indirect_dma semaphore(%arg12 : memref<!tpu.dma_semaphore, #tpu.memory_space<semaphore_mem>>) src(%dma_wait3A_76 : memref<10000x128xf32, #tpu.memory_space<hbm>>) dst(%arg9 : memref<128x128xf32, #tpu.memory_space<vmem>>)
      %add3A_77 = arith.constant 0 : i32
      %add3A_78 = arith.addi %mul3A_69, %add3A_77 : i32
      %dma_start3A_79 = arith.constant 0 : i32
      %dma_start3A_80 = tpu.memref_slice %arg8[%add3A_78, %dma_start3A_79] : memref<40x128xi32, #tpu.memory_space<vmem>> -> memref<1x128xi32, #tpu.memory_space<vmem>>
      %dma_start3A_81 = tpu.memref_squeeze %dma_start3A_80 : memref<1x128xi32, #tpu.memory_space<vmem>> -> memref<128xi32, #tpu.memory_space<vmem>>
      %dma_start3A_82 = arith.constant 0 : i32
      %dma_start3A_83 = arith.constant 0 : i32
      %dma_start3A_84 = tpu.memref_slice %arg11[%dma_start3A_82, %dma_start3A_83] : memref<10240x128xf32, #tpu.memory_space<vmem_shared>> -> memref<10240x128xf32, #tpu.memory_space<vmem_shared>>
      tpu.enqueue_indirect_dma source(%arg9 : memref<128x128xf32, #tpu.memory_space<vmem>>) target(%dma_start3A_84 : memref<10240x128xf32, #tpu.memory_space<vmem_shared>>) offsets(%dma_start3A_81 : memref<128xi32, #tpu.memory_space<vmem>>) semaphore(%arg14 : memref<!tpu.dma_semaphore, #tpu.memory_space<semaphore_mem>>) {add = true}
      %dma_wait3A_85 = arith.constant 0 : i32
      %dma_wait3A_86 = arith.constant 0 : i32
      %dma_wait3A_87 = tpu.memref_slice %arg7[%dma_wait3A_85, %dma_wait3A_86] : memref<40x128xi32, #tpu.memory_space<vmem>> -> memref<1x128xi32, #tpu.memory_space<vmem>>
      %dma_wait3A_88 = tpu.memref_squeeze %dma_wait3A_87 : memref<1x128xi32, #tpu.memory_space<vmem>> -> memref<128xi32, #tpu.memory_space<vmem>>
      %dma_wait3A_89 = arith.constant 0 : i32
      %dma_wait3A_90 = arith.constant 0 : i32
      %dma_wait3A_91 = tpu.memref_slice %arg2[%dma_wait3A_89, %dma_wait3A_90] : memref<10000x128xf32, #tpu.memory_space<hbm>> -> memref<10000x128xf32, #tpu.memory_space<hbm>>
      tpu.wait_indirect_dma semaphore(%arg13 : memref<!tpu.dma_semaphore, #tpu.memory_space<semaphore_mem>>) src(%dma_wait3A_91 : memref<10000x128xf32, #tpu.memory_space<hbm>>) dst(%arg10 : memref<128x128xf32, #tpu.memory_space<vmem>>)
      %add3A_92 = arith.constant 1 : i32
      %add3A_93 = arith.addi %mul3A_69, %add3A_92 : i32
      %dma_start3A_94 = arith.constant 0 : i32
      %dma_start3A_95 = tpu.memref_slice %arg8[%add3A_93, %dma_start3A_94] : memref<40x128xi32, #tpu.memory_space<vmem>> -> memref<1x128xi32, #tpu.memory_space<vmem>>
      %dma_start3A_96 = tpu.memref_squeeze %dma_start3A_95 : memref<1x128xi32, #tpu.memory_space<vmem>> -> memref<128xi32, #tpu.memory_space<vmem>>
      %dma_start3A_97 = arith.constant 0 : i32
      %dma_start3A_98 = arith.constant 0 : i32
      %dma_start3A_99 = tpu.memref_slice %arg11[%dma_start3A_97, %dma_start3A_98] : memref<10240x128xf32, #tpu.memory_space<vmem_shared>> -> memref<10240x128xf32, #tpu.memory_space<vmem_shared>>
      tpu.enqueue_indirect_dma source(%arg10 : memref<128x128xf32, #tpu.memory_space<vmem>>) target(%dma_start3A_99 : memref<10240x128xf32, #tpu.memory_space<vmem_shared>>) offsets(%dma_start3A_96 : memref<128xi32, #tpu.memory_space<vmem>>) semaphore(%arg15 : memref<!tpu.dma_semaphore, #tpu.memory_space<semaphore_mem>>) {add = true}
      %dma_wait3A_100 = arith.constant 0 : i32
      %dma_wait3A_101 = arith.constant 0 : i32
      %dma_wait3A_102 = tpu.memref_slice %arg8[%dma_wait3A_100, %dma_wait3A_101] : memref<40x128xi32, #tpu.memory_space<vmem>> -> memref<1x128xi32, #tpu.memory_space<vmem>>
      %dma_wait3A_103 = tpu.memref_squeeze %dma_wait3A_102 : memref<1x128xi32, #tpu.memory_space<vmem>> -> memref<128xi32, #tpu.memory_space<vmem>>
      %dma_wait3A_104 = arith.constant 0 : i32
      %dma_wait3A_105 = arith.constant 0 : i32
      %dma_wait3A_106 = tpu.memref_slice %arg11[%dma_wait3A_104, %dma_wait3A_105] : memref<10240x128xf32, #tpu.memory_space<vmem_shared>> -> memref<10240x128xf32, #tpu.memory_space<vmem_shared>>
      tpu.wait_indirect_dma semaphore(%arg14 : memref<!tpu.dma_semaphore, #tpu.memory_space<semaphore_mem>>) src(%arg9 : memref<128x128xf32, #tpu.memory_space<vmem>>) dst(%dma_wait3A_106 : memref<10240x128xf32, #tpu.memory_space<vmem_shared>>)
      %add3A_107 = arith.constant 2 : i32
      %add3A_108 = arith.addi %mul3A_69, %add3A_107 : i32
      %add3A_109 = arith.constant 0 : i32
      %add3A_110 = arith.addi %add3A_108, %add3A_109 : i32
      %dma_start3A_111 = arith.constant 0 : i32
      %dma_start3A_112 = tpu.memref_slice %arg7[%add3A_110, %dma_start3A_111] : memref<40x128xi32, #tpu.memory_space<vmem>> -> memref<1x128xi32, #tpu.memory_space<vmem>>
      %dma_start3A_113 = tpu.memref_squeeze %dma_start3A_112 : memref<1x128xi32, #tpu.memory_space<vmem>> -> memref<128xi32, #tpu.memory_space<vmem>>
      %dma_start3A_114 = arith.constant 0 : i32
      %dma_start3A_115 = arith.constant 0 : i32
      %dma_start3A_116 = tpu.memref_slice %arg2[%dma_start3A_114, %dma_start3A_115] : memref<10000x128xf32, #tpu.memory_space<hbm>> -> memref<10000x128xf32, #tpu.memory_space<hbm>>
      tpu.enqueue_indirect_dma source(%dma_start3A_116 : memref<10000x128xf32, #tpu.memory_space<hbm>>) target(%arg9 : memref<128x128xf32, #tpu.memory_space<vmem>>) offsets(%dma_start3A_113 : memref<128xi32, #tpu.memory_space<vmem>>) semaphore(%arg12 : memref<!tpu.dma_semaphore, #tpu.memory_space<semaphore_mem>>)
      %dma_wait3A_117 = arith.constant 0 : i32
      %dma_wait3A_118 = arith.constant 0 : i32
      %dma_wait3A_119 = tpu.memref_slice %arg8[%dma_wait3A_117, %dma_wait3A_118] : memref<40x128xi32, #tpu.memory_space<vmem>> -> memref<1x128xi32, #tpu.memory_space<vmem>>
      %dma_wait3A_120 = tpu.memref_squeeze %dma_wait3A_119 : memref<1x128xi32, #tpu.memory_space<vmem>> -> memref<128xi32, #tpu.memory_space<vmem>>
      %dma_wait3A_121 = arith.constant 0 : i32
      %dma_wait3A_122 = arith.constant 0 : i32
      %dma_wait3A_123 = tpu.memref_slice %arg11[%dma_wait3A_121, %dma_wait3A_122] : memref<10240x128xf32, #tpu.memory_space<vmem_shared>> -> memref<10240x128xf32, #tpu.memory_space<vmem_shared>>
      tpu.wait_indirect_dma semaphore(%arg15 : memref<!tpu.dma_semaphore, #tpu.memory_space<semaphore_mem>>) src(%arg10 : memref<128x128xf32, #tpu.memory_space<vmem>>) dst(%dma_wait3A_123 : memref<10240x128xf32, #tpu.memory_space<vmem_shared>>)
      %add3A_124 = arith.constant 2 : i32
      %add3A_125 = arith.addi %mul3A_69, %add3A_124 : i32
      %add3A_126 = arith.constant 1 : i32
      %add3A_127 = arith.addi %add3A_125, %add3A_126 : i32
      %dma_start3A_128 = arith.constant 0 : i32
      %dma_start3A_129 = tpu.memref_slice %arg7[%add3A_127, %dma_start3A_128] : memref<40x128xi32, #tpu.memory_space<vmem>> -> memref<1x128xi32, #tpu.memory_space<vmem>>
      %dma_start3A_130 = tpu.memref_squeeze %dma_start3A_129 : memref<1x128xi32, #tpu.memory_space<vmem>> -> memref<128xi32, #tpu.memory_space<vmem>>
      %dma_start3A_131 = arith.constant 0 : i32
      %dma_start3A_132 = arith.constant 0 : i32
      %dma_start3A_133 = tpu.memref_slice %arg2[%dma_start3A_131, %dma_start3A_132] : memref<10000x128xf32, #tpu.memory_space<hbm>> -> memref<10000x128xf32, #tpu.memory_space<hbm>>
      tpu.enqueue_indirect_dma source(%dma_start3A_133 : memref<10000x128xf32, #tpu.memory_space<hbm>>) target(%arg10 : memref<128x128xf32, #tpu.memory_space<vmem>>) offsets(%dma_start3A_130 : memref<128xi32, #tpu.memory_space<vmem>>) semaphore(%arg13 : memref<!tpu.dma_semaphore, #tpu.memory_space<semaphore_mem>>)
    }
    %scan3A_20 = arith.constant 19 : i32
    %dma_wait3A = arith.constant 0 : i32
    %dma_wait3A_21 = arith.constant 0 : i32
    %dma_wait3A_22 = tpu.memref_slice %arg7[%dma_wait3A, %dma_wait3A_21] : memref<40x128xi32, #tpu.memory_space<vmem>> -> memref<1x128xi32, #tpu.memory_space<vmem>>
    %dma_wait3A_23 = tpu.memref_squeeze %dma_wait3A_22 : memref<1x128xi32, #tpu.memory_space<vmem>> -> memref<128xi32, #tpu.memory_space<vmem>>
    %dma_wait3A_24 = arith.constant 0 : i32
    %dma_wait3A_25 = arith.constant 0 : i32
    %dma_wait3A_26 = tpu.memref_slice %arg2[%dma_wait3A_24, %dma_wait3A_25] : memref<10000x128xf32, #tpu.memory_space<hbm>> -> memref<10000x128xf32, #tpu.memory_space<hbm>>
    tpu.wait_indirect_dma semaphore(%arg12 : memref<!tpu.dma_semaphore, #tpu.memory_space<semaphore_mem>>) src(%dma_wait3A_26 : memref<10000x128xf32, #tpu.memory_space<hbm>>) dst(%arg9 : memref<128x128xf32, #tpu.memory_space<vmem>>)
    %dma_start3A_27 = arith.constant 38 : i32
    %dma_start3A_28 = arith.constant 0 : i32
    %dma_start3A_29 = tpu.memref_slice %arg8[%dma_start3A_27, %dma_start3A_28] : memref<40x128xi32, #tpu.memory_space<vmem>> -> memref<1x128xi32, #tpu.memory_space<vmem>>
    %dma_start3A_30 = tpu.memref_squeeze %dma_start3A_29 : memref<1x128xi32, #tpu.memory_space<vmem>> -> memref<128xi32, #tpu.memory_space<vmem>>
    %dma_start3A_31 = arith.constant 0 : i32
    %dma_start3A_32 = arith.constant 0 : i32
    %dma_start3A_33 = tpu.memref_slice %arg11[%dma_start3A_31, %dma_start3A_32] : memref<10240x128xf32, #tpu.memory_space<vmem_shared>> -> memref<10240x128xf32, #tpu.memory_space<vmem_shared>>
    tpu.enqueue_indirect_dma source(%arg9 : memref<128x128xf32, #tpu.memory_space<vmem>>) target(%dma_start3A_33 : memref<10240x128xf32, #tpu.memory_space<vmem_shared>>) offsets(%dma_start3A_30 : memref<128xi32, #tpu.memory_space<vmem>>) semaphore(%arg14 : memref<!tpu.dma_semaphore, #tpu.memory_space<semaphore_mem>>) {add = true}
    %dma_wait3A_34 = arith.constant 0 : i32
    %dma_wait3A_35 = arith.constant 0 : i32
    %dma_wait3A_36 = tpu.memref_slice %arg7[%dma_wait3A_34, %dma_wait3A_35] : memref<40x128xi32, #tpu.memory_space<vmem>> -> memref<1x128xi32, #tpu.memory_space<vmem>>
    %dma_wait3A_37 = tpu.memref_squeeze %dma_wait3A_36 : memref<1x128xi32, #tpu.memory_space<vmem>> -> memref<128xi32, #tpu.memory_space<vmem>>
    %dma_wait3A_38 = arith.constant 0 : i32
    %dma_wait3A_39 = arith.constant 0 : i32
    %dma_wait3A_40 = tpu.memref_slice %arg2[%dma_wait3A_38, %dma_wait3A_39] : memref<10000x128xf32, #tpu.memory_space<hbm>> -> memref<10000x128xf32, #tpu.memory_space<hbm>>
    tpu.wait_indirect_dma semaphore(%arg13 : memref<!tpu.dma_semaphore, #tpu.memory_space<semaphore_mem>>) src(%dma_wait3A_40 : memref<10000x128xf32, #tpu.memory_space<hbm>>) dst(%arg10 : memref<128x128xf32, #tpu.memory_space<vmem>>)
    %dma_start3A_41 = arith.constant 39 : i32
    %dma_start3A_42 = arith.constant 0 : i32
    %dma_start3A_43 = tpu.memref_slice %arg8[%dma_start3A_41, %dma_start3A_42] : memref<40x128xi32, #tpu.memory_space<vmem>> -> memref<1x128xi32, #tpu.memory_space<vmem>>
    %dma_start3A_44 = tpu.memref_squeeze %dma_start3A_43 : memref<1x128xi32, #tpu.memory_space<vmem>> -> memref<128xi32, #tpu.memory_space<vmem>>
    %dma_start3A_45 = arith.constant 0 : i32
    %dma_start3A_46 = arith.constant 0 : i32
    %dma_start3A_47 = tpu.memref_slice %arg11[%dma_start3A_45, %dma_start3A_46] : memref<10240x128xf32, #tpu.memory_space<vmem_shared>> -> memref<10240x128xf32, #tpu.memory_space<vmem_shared>>
    tpu.enqueue_indirect_dma source(%arg10 : memref<128x128xf32, #tpu.memory_space<vmem>>) target(%dma_start3A_47 : memref<10240x128xf32, #tpu.memory_space<vmem_shared>>) offsets(%dma_start3A_44 : memref<128xi32, #tpu.memory_space<vmem>>) semaphore(%arg15 : memref<!tpu.dma_semaphore, #tpu.memory_space<semaphore_mem>>) {add = true}
    %dma_wait3A_48 = arith.constant 0 : i32
    %dma_wait3A_49 = arith.constant 0 : i32
    %dma_wait3A_50 = tpu.memref_slice %arg8[%dma_wait3A_48, %dma_wait3A_49] : memref<40x128xi32, #tpu.memory_space<vmem>> -> memref<1x128xi32, #tpu.memory_space<vmem>>
    %dma_wait3A_51 = tpu.memref_squeeze %dma_wait3A_50 : memref<1x128xi32, #tpu.memory_space<vmem>> -> memref<128xi32, #tpu.memory_space<vmem>>
    %dma_wait3A_52 = arith.constant 0 : i32
    %dma_wait3A_53 = arith.constant 0 : i32
    %dma_wait3A_54 = tpu.memref_slice %arg11[%dma_wait3A_52, %dma_wait3A_53] : memref<10240x128xf32, #tpu.memory_space<vmem_shared>> -> memref<10240x128xf32, #tpu.memory_space<vmem_shared>>
    tpu.wait_indirect_dma semaphore(%arg14 : memref<!tpu.dma_semaphore, #tpu.memory_space<semaphore_mem>>) src(%arg9 : memref<128x128xf32, #tpu.memory_space<vmem>>) dst(%dma_wait3A_54 : memref<10240x128xf32, #tpu.memory_space<vmem_shared>>)
    %dma_wait3A_55 = arith.constant 0 : i32
    %dma_wait3A_56 = arith.constant 0 : i32
    %dma_wait3A_57 = tpu.memref_slice %arg8[%dma_wait3A_55, %dma_wait3A_56] : memref<40x128xi32, #tpu.memory_space<vmem>> -> memref<1x128xi32, #tpu.memory_space<vmem>>
    %dma_wait3A_58 = tpu.memref_squeeze %dma_wait3A_57 : memref<1x128xi32, #tpu.memory_space<vmem>> -> memref<128xi32, #tpu.memory_space<vmem>>
    %dma_wait3A_59 = arith.constant 0 : i32
    %dma_wait3A_60 = arith.constant 0 : i32
    %dma_wait3A_61 = tpu.memref_slice %arg11[%dma_wait3A_59, %dma_wait3A_60] : memref<10240x128xf32, #tpu.memory_space<vmem_shared>> -> memref<10240x128xf32, #tpu.memory_space<vmem_shared>>
    tpu.wait_indirect_dma semaphore(%arg15 : memref<!tpu.dma_semaphore, #tpu.memory_space<semaphore_mem>>) src(%arg10 : memref<128x128xf32, #tpu.memory_space<vmem>>) dst(%dma_wait3A_61 : memref<10240x128xf32, #tpu.memory_space<vmem_shared>>)
    %barrier3A_62 = arith.constant 0 : index
    tpu.barrier barrier_id(%barrier3A_62)
    %mul3A_63 = arith.constant 640 : i32
    %mul3A_64 = arith.muli %arg1, %mul3A_63 : i32
    %mul3A_65 = arith.constant 640 : i32
    %mul3A_66 = arith.muli %arg1, %mul3A_65 : i32
    "tpu.region"() ({
      %run_scoped3A = tpu.sem_alloc : memref<!tpu.dma_semaphore, #tpu.memory_space<semaphore_mem>>
      %dma_start3A_67 = arith.constant 0 : i32
      %dma_start3A_68 = tpu.memref_slice %arg6[%arg0, %mul3A_66, %dma_start3A_67] : memref<2x10240x128xf32, #tpu.memory_space<hbm>> -> memref<1x640x128xf32, #tpu.memory_space<hbm>>
      %dma_start3A_69 = tpu.memref_squeeze %dma_start3A_68 : memref<1x640x128xf32, #tpu.memory_space<hbm>> -> memref<640x128xf32, #tpu.memory_space<hbm>>
      %dma_start3A_70 = arith.constant 0 : i32
      %dma_start3A_71 = tpu.memref_slice %arg11[%mul3A_64, %dma_start3A_70] : memref<10240x128xf32, #tpu.memory_space<vmem_shared>> -> memref<640x128xf32, #tpu.memory_space<vmem_shared>>
      tpu.enqueue_dma source(%dma_start3A_71 : memref<640x128xf32, #tpu.memory_space<vmem_shared>>) target(%dma_start3A_69 : memref<640x128xf32, #tpu.memory_space<hbm>>) target_semaphore(%run_scoped3A : memref<!tpu.dma_semaphore, #tpu.memory_space<semaphore_mem>>)
      %dma_wait3A_72 = arith.constant 0 : i32
      %dma_wait3A_73 = tpu.memref_slice %arg6[%arg0, %mul3A_66, %dma_wait3A_72] : memref<2x10240x128xf32, #tpu.memory_space<hbm>> -> memref<1x640x128xf32, #tpu.memory_space<hbm>>
      %dma_wait3A_74 = tpu.memref_squeeze %dma_wait3A_73 : memref<1x640x128xf32, #tpu.memory_space<hbm>> -> memref<640x128xf32, #tpu.memory_space<hbm>>
      %dma_wait3A_75 = arith.constant 0 : i32
      %dma_wait3A_76 = tpu.memref_slice %arg11[%mul3A_64, %dma_wait3A_75] : memref<10240x128xf32, #tpu.memory_space<vmem_shared>> -> memref<640x128xf32, #tpu.memory_space<vmem_shared>>
      tpu.wait_dma2 semaphore(%run_scoped3A : memref<!tpu.dma_semaphore, #tpu.memory_space<semaphore_mem>>) src(%dma_wait3A_76 : memref<640x128xf32, #tpu.memory_space<vmem_shared>>) dst(%dma_wait3A_74 : memref<640x128xf32, #tpu.memory_space<hbm>>)
      tpu.yield
    }) : () -> ()
    return
  }
}

#map = affine_map<(d0, d1) -> (0, 0)>
#map1 = affine_map<(d0, d1) -> (0, 0, 0)>
module attributes {stable_mosaic.version = 14 : i64} {
  func.func @_sc_scatter_body(%arg0: i32, %arg1: i32, %arg2: memref<10000x128xf32, #tpu.memory_space<hbm>>, %arg3: memref<32x40x128xi32, #tpu.memory_space<hbm>>, %arg4: memref<32x40x128xi32, #tpu.memory_space<hbm>>, %arg5: memref<640x128xf32, #tpu.memory_space<hbm>>, %arg6: memref<2x10240x128xf32, #tpu.memory_space<hbm>>, %arg7: memref<40x128xi32, #tpu.memory_space<vmem>>, %arg8: memref<40x128xi32, #tpu.memory_space<vmem>>, %arg9: memref<128x128xf32, #tpu.memory_space<vmem>>, %arg10: memref<128x128xf32, #tpu.memory_space<vmem>>, %arg11: memref<10240x128xf32, #tpu.memory_space<vmem_shared>>, %arg12: memref<!tpu.dma_semaphore, #tpu.memory_space<semaphore_mem>>, %arg13: memref<!tpu.dma_semaphore, #tpu.memory_space<semaphore_mem>>, %arg14: memref<!tpu.dma_semaphore, #tpu.memory_space<semaphore_mem>>, %arg15: memref<!tpu.dma_semaphore, #tpu.memory_space<semaphore_mem>>) attributes {dimension_semantics = [#tpu.dimension_semantics<core_parallel>, #tpu.dimension_semantics<subcore_parallel>], iteration_bounds = array<i64: 2, 16>, scalar_prefetch = 0 : i64, scratch_operands = 9 : i64, tpu.core_type = #tpu.core_type<sc_vector_subcore>, window_params = [{transform_indices = #map}, {transform_indices = #map1}, {transform_indices = #map1}, {transform_indices = #map}, {transform_indices = #map1}]} {
    %mul3A = arith.constant 2 : i32
    %mul3A_0 = arith.muli %arg1, %mul3A : i32
    %add3A = arith.addi %mul3A_0, %arg0 : i32
    "tpu.region"() ({
      %run_scoped3A = tpu.sem_alloc : memref<!tpu.dma_semaphore, #tpu.memory_space<semaphore_mem>>
      %dma_start3A_67 = arith.constant 0 : i32
      %dma_start3A_68 = arith.constant 0 : i32
      %dma_start3A_69 = tpu.memref_slice %arg3[%add3A, %dma_start3A_67, %dma_start3A_68] : memref<32x40x128xi32, #tpu.memory_space<hbm>> -> memref<1x40x128xi32, #tpu.memory_space<hbm>>
      %dma_start3A_70 = tpu.memref_squeeze %dma_start3A_69 : memref<1x40x128xi32, #tpu.memory_space<hbm>> -> memref<40x128xi32, #tpu.memory_space<hbm>>
      %dma_start3A_71 = arith.constant 0 : i32
      %dma_start3A_72 = arith.constant 0 : i32
      %dma_start3A_73 = tpu.memref_slice %arg3[%add3A, %dma_start3A_71, %dma_start3A_72] : memref<32x40x128xi32, #tpu.memory_space<hbm>> -> memref<1x40x128xi32, #tpu.memory_space<hbm>>
      %dma_start3A_74 = tpu.memref_squeeze %dma_start3A_73 : memref<1x40x128xi32, #tpu.memory_space<hbm>> -> memref<40x128xi32, #tpu.memory_space<hbm>>
      tpu.enqueue_dma source(%dma_start3A_74 : memref<40x128xi32, #tpu.memory_space<hbm>>) target(%arg7 : memref<40x128xi32, #tpu.memory_space<vmem>>) target_semaphore(%run_scoped3A : memref<!tpu.dma_semaphore, #tpu.memory_space<semaphore_mem>>)
      %dma_wait3A_75 = arith.constant 0 : i32
      %dma_wait3A_76 = arith.constant 0 : i32
      %dma_wait3A_77 = tpu.memref_slice %arg3[%add3A, %dma_wait3A_75, %dma_wait3A_76] : memref<32x40x128xi32, #tpu.memory_space<hbm>> -> memref<1x40x128xi32, #tpu.memory_space<hbm>>
      %dma_wait3A_78 = tpu.memref_squeeze %dma_wait3A_77 : memref<1x40x128xi32, #tpu.memory_space<hbm>> -> memref<40x128xi32, #tpu.memory_space<hbm>>
      %dma_wait3A_79 = arith.constant 0 : i32
      %dma_wait3A_80 = arith.constant 0 : i32
      %dma_wait3A_81 = tpu.memref_slice %arg3[%add3A, %dma_wait3A_79, %dma_wait3A_80] : memref<32x40x128xi32, #tpu.memory_space<hbm>> -> memref<1x40x128xi32, #tpu.memory_space<hbm>>
      %dma_wait3A_82 = tpu.memref_squeeze %dma_wait3A_81 : memref<1x40x128xi32, #tpu.memory_space<hbm>> -> memref<40x128xi32, #tpu.memory_space<hbm>>
      tpu.wait_dma2 semaphore(%run_scoped3A : memref<!tpu.dma_semaphore, #tpu.memory_space<semaphore_mem>>) src(%dma_wait3A_82 : memref<40x128xi32, #tpu.memory_space<hbm>>) dst(%arg7 : memref<40x128xi32, #tpu.memory_space<vmem>>)
      tpu.yield
    }) : () -> ()
    "tpu.region"() ({
      %run_scoped3A = tpu.sem_alloc : memref<!tpu.dma_semaphore, #tpu.memory_space<semaphore_mem>>
      %dma_start3A_67 = arith.constant 0 : i32
      %dma_start3A_68 = arith.constant 0 : i32
      %dma_start3A_69 = tpu.memref_slice %arg4[%add3A, %dma_start3A_67, %dma_start3A_68] : memref<32x40x128xi32, #tpu.memory_space<hbm>> -> memref<1x40x128xi32, #tpu.memory_space<hbm>>
      %dma_start3A_70 = tpu.memref_squeeze %dma_start3A_69 : memref<1x40x128xi32, #tpu.memory_space<hbm>> -> memref<40x128xi32, #tpu.memory_space<hbm>>
      %dma_start3A_71 = arith.constant 0 : i32
      %dma_start3A_72 = arith.constant 0 : i32
      %dma_start3A_73 = tpu.memref_slice %arg4[%add3A, %dma_start3A_71, %dma_start3A_72] : memref<32x40x128xi32, #tpu.memory_space<hbm>> -> memref<1x40x128xi32, #tpu.memory_space<hbm>>
      %dma_start3A_74 = tpu.memref_squeeze %dma_start3A_73 : memref<1x40x128xi32, #tpu.memory_space<hbm>> -> memref<40x128xi32, #tpu.memory_space<hbm>>
      tpu.enqueue_dma source(%dma_start3A_74 : memref<40x128xi32, #tpu.memory_space<hbm>>) target(%arg8 : memref<40x128xi32, #tpu.memory_space<vmem>>) target_semaphore(%run_scoped3A : memref<!tpu.dma_semaphore, #tpu.memory_space<semaphore_mem>>)
      %dma_wait3A_75 = arith.constant 0 : i32
      %dma_wait3A_76 = arith.constant 0 : i32
      %dma_wait3A_77 = tpu.memref_slice %arg4[%add3A, %dma_wait3A_75, %dma_wait3A_76] : memref<32x40x128xi32, #tpu.memory_space<hbm>> -> memref<1x40x128xi32, #tpu.memory_space<hbm>>
      %dma_wait3A_78 = tpu.memref_squeeze %dma_wait3A_77 : memref<1x40x128xi32, #tpu.memory_space<hbm>> -> memref<40x128xi32, #tpu.memory_space<hbm>>
      %dma_wait3A_79 = arith.constant 0 : i32
      %dma_wait3A_80 = arith.constant 0 : i32
      %dma_wait3A_81 = tpu.memref_slice %arg4[%add3A, %dma_wait3A_79, %dma_wait3A_80] : memref<32x40x128xi32, #tpu.memory_space<hbm>> -> memref<1x40x128xi32, #tpu.memory_space<hbm>>
      %dma_wait3A_82 = tpu.memref_squeeze %dma_wait3A_81 : memref<1x40x128xi32, #tpu.memory_space<hbm>> -> memref<40x128xi32, #tpu.memory_space<hbm>>
      tpu.wait_dma2 semaphore(%run_scoped3A : memref<!tpu.dma_semaphore, #tpu.memory_space<semaphore_mem>>) src(%dma_wait3A_82 : memref<40x128xi32, #tpu.memory_space<hbm>>) dst(%arg8 : memref<40x128xi32, #tpu.memory_space<vmem>>)
      tpu.yield
    }) : () -> ()
    %mul3A_1 = arith.constant 640 : i32
    %mul3A_2 = arith.muli %arg1, %mul3A_1 : i32
    "tpu.region"() ({
      %run_scoped3A = tpu.sem_alloc : memref<!tpu.dma_semaphore, #tpu.memory_space<semaphore_mem>>
      %dma_start3A_67 = arith.constant 0 : i32
      %dma_start3A_68 = tpu.memref_slice %arg11[%mul3A_2, %dma_start3A_67] : memref<10240x128xf32, #tpu.memory_space<vmem_shared>> -> memref<640x128xf32, #tpu.memory_space<vmem_shared>>
      tpu.enqueue_dma source(%arg5 : memref<640x128xf32, #tpu.memory_space<hbm>>) target(%dma_start3A_68 : memref<640x128xf32, #tpu.memory_space<vmem_shared>>) target_semaphore(%run_scoped3A : memref<!tpu.dma_semaphore, #tpu.memory_space<semaphore_mem>>)
      %dma_wait3A_69 = arith.constant 0 : i32
      %dma_wait3A_70 = tpu.memref_slice %arg11[%mul3A_2, %dma_wait3A_69] : memref<10240x128xf32, #tpu.memory_space<vmem_shared>> -> memref<640x128xf32, #tpu.memory_space<vmem_shared>>
      tpu.wait_dma2 semaphore(%run_scoped3A : memref<!tpu.dma_semaphore, #tpu.memory_space<semaphore_mem>>) src(%arg5 : memref<640x128xf32, #tpu.memory_space<hbm>>) dst(%dma_wait3A_70 : memref<640x128xf32, #tpu.memory_space<vmem_shared>>)
      tpu.yield
    }) : () -> ()
    %barrier3A = arith.constant 0 : index
    tpu.barrier barrier_id(%barrier3A)
    %dma_start3A = arith.constant 0 : i32
    %dma_start3A_3 = arith.constant 0 : i32
    %dma_start3A_4 = tpu.memref_slice %arg7[%dma_start3A, %dma_start3A_3] : memref<40x128xi32, #tpu.memory_space<vmem>> -> memref<1x128xi32, #tpu.memory_space<vmem>>
    %dma_start3A_5 = tpu.memref_squeeze %dma_start3A_4 : memref<1x128xi32, #tpu.memory_space<vmem>> -> memref<128xi32, #tpu.memory_space<vmem>>
    %dma_start3A_6 = arith.constant 0 : i32
    %dma_start3A_7 = arith.constant 0 : i32
    %dma_start3A_8 = tpu.memref_slice %arg2[%dma_start3A_6, %dma_start3A_7] : memref<10000x128xf32, #tpu.memory_space<hbm>> -> memref<10000x128xf32, #tpu.memory_space<hbm>>
    tpu.enqueue_indirect_dma source(%dma_start3A_8 : memref<10000x128xf32, #tpu.memory_space<hbm>>) target(%arg9 : memref<128x128xf32, #tpu.memory_space<vmem>>) offsets(%dma_start3A_5 : memref<128xi32, #tpu.memory_space<vmem>>) semaphore(%arg12 : memref<!tpu.dma_semaphore, #tpu.memory_space<semaphore_mem>>)
    %dma_start3A_9 = arith.constant 1 : i32
    %dma_start3A_10 = arith.constant 0 : i32
    %dma_start3A_11 = tpu.memref_slice %arg7[%dma_start3A_9, %dma_start3A_10] : memref<40x128xi32, #tpu.memory_space<vmem>> -> memref<1x128xi32, #tpu.memory_space<vmem>>
    %dma_start3A_12 = tpu.memref_squeeze %dma_start3A_11 : memref<1x128xi32, #tpu.memory_space<vmem>> -> memref<128xi32, #tpu.memory_space<vmem>>
    %dma_start3A_13 = arith.constant 0 : i32
    %dma_start3A_14 = arith.constant 0 : i32
    %dma_start3A_15 = tpu.memref_slice %arg2[%dma_start3A_13, %dma_start3A_14] : memref<10000x128xf32, #tpu.memory_space<hbm>> -> memref<10000x128xf32, #tpu.memory_space<hbm>>
    tpu.enqueue_indirect_dma source(%dma_start3A_15 : memref<10000x128xf32, #tpu.memory_space<hbm>>) target(%arg10 : memref<128x128xf32, #tpu.memory_space<vmem>>) offsets(%dma_start3A_12 : memref<128xi32, #tpu.memory_space<vmem>>) semaphore(%arg13 : memref<!tpu.dma_semaphore, #tpu.memory_space<semaphore_mem>>)
    %scan3A = arith.constant 0 : i32
    %scan3A_16 = arith.constant 0 : i32
    %scan3A_17 = arith.constant 19 : i32
    %scan3A_18 = arith.addi %scan3A_16, %scan3A_17 : i32
    %scan3A_19 = arith.constant 1 : i32
    scf.for %scan3A_67 = %scan3A_16 to %scan3A_18 step %scan3A_19  : i32 {
      %mul3A_68 = arith.constant 2 : i32
      %mul3A_69 = arith.muli %mul3A_68, %scan3A_67 : i32
      %dma_wait3A_70 = arith.constant 0 : i32
      %dma_wait3A_71 = arith.constant 0 : i32
      %dma_wait3A_72 = tpu.memref_slice %arg7[%dma_wait3A_70, %dma_wait3A_71] : memref<40x128xi32, #tpu.memory_space<vmem>> -> memref<1x128xi32, #tpu.memory_space<vmem>>
      %dma_wait3A_73 = tpu.memref_squeeze %dma_wait3A_72 : memref<1x128xi32, #tpu.memory_space<vmem>> -> memref<128xi32, #tpu.memory_space<vmem>>
      %dma_wait3A_74 = arith.constant 0 : i32
      %dma_wait3A_75 = arith.constant 0 : i32
      %dma_wait3A_76 = tpu.memref_slice %arg2[%dma_wait3A_74, %dma_wait3A_75] : memref<10000x128xf32, #tpu.memory_space<hbm>> -> memref<10000x128xf32, #tpu.memory_space<hbm>>
      tpu.wait_indirect_dma semaphore(%arg12 : memref<!tpu.dma_semaphore, #tpu.memory_space<semaphore_mem>>) src(%dma_wait3A_76 : memref<10000x128xf32, #tpu.memory_space<hbm>>) dst(%arg9 : memref<128x128xf32, #tpu.memory_space<vmem>>)
      %add3A_77 = arith.constant 0 : i32
      %add3A_78 = arith.addi %mul3A_69, %add3A_77 : i32
      %dma_start3A_79 = arith.constant 0 : i32
      %dma_start3A_80 = tpu.memref_slice %arg8[%add3A_78, %dma_start3A_79] : memref<40x128xi32, #tpu.memory_space<vmem>> -> memref<1x128xi32, #tpu.memory_space<vmem>>
      %dma_start3A_81 = tpu.memref_squeeze %dma_start3A_80 : memref<1x128xi32, #tpu.memory_space<vmem>> -> memref<128xi32, #tpu.memory_space<vmem>>
      %dma_start3A_82 = arith.constant 0 : i32
      %dma_start3A_83 = arith.constant 0 : i32
      %dma_start3A_84 = tpu.memref_slice %arg11[%dma_start3A_82, %dma_start3A_83] : memref<10240x128xf32, #tpu.memory_space<vmem_shared>> -> memref<10240x128xf32, #tpu.memory_space<vmem_shared>>
      tpu.enqueue_indirect_dma source(%arg9 : memref<128x128xf32, #tpu.memory_space<vmem>>) target(%dma_start3A_84 : memref<10240x128xf32, #tpu.memory_space<vmem_shared>>) offsets(%dma_start3A_81 : memref<128xi32, #tpu.memory_space<vmem>>) semaphore(%arg14 : memref<!tpu.dma_semaphore, #tpu.memory_space<semaphore_mem>>) {add = true}
      %dma_wait3A_85 = arith.constant 0 : i32
      %dma_wait3A_86 = arith.constant 0 : i32
      %dma_wait3A_87 = tpu.memref_slice %arg7[%dma_wait3A_85, %dma_wait3A_86] : memref<40x128xi32, #tpu.memory_space<vmem>> -> memref<1x128xi32, #tpu.memory_space<vmem>>
      %dma_wait3A_88 = tpu.memref_squeeze %dma_wait3A_87 : memref<1x128xi32, #tpu.memory_space<vmem>> -> memref<128xi32, #tpu.memory_space<vmem>>
      %dma_wait3A_89 = arith.constant 0 : i32
      %dma_wait3A_90 = arith.constant 0 : i32
      %dma_wait3A_91 = tpu.memref_slice %arg2[%dma_wait3A_89, %dma_wait3A_90] : memref<10000x128xf32, #tpu.memory_space<hbm>> -> memref<10000x128xf32, #tpu.memory_space<hbm>>
      tpu.wait_indirect_dma semaphore(%arg13 : memref<!tpu.dma_semaphore, #tpu.memory_space<semaphore_mem>>) src(%dma_wait3A_91 : memref<10000x128xf32, #tpu.memory_space<hbm>>) dst(%arg10 : memref<128x128xf32, #tpu.memory_space<vmem>>)
      %add3A_92 = arith.constant 1 : i32
      %add3A_93 = arith.addi %mul3A_69, %add3A_92 : i32
      %dma_start3A_94 = arith.constant 0 : i32
      %dma_start3A_95 = tpu.memref_slice %arg8[%add3A_93, %dma_start3A_94] : memref<40x128xi32, #tpu.memory_space<vmem>> -> memref<1x128xi32, #tpu.memory_space<vmem>>
      %dma_start3A_96 = tpu.memref_squeeze %dma_start3A_95 : memref<1x128xi32, #tpu.memory_space<vmem>> -> memref<128xi32, #tpu.memory_space<vmem>>
      %dma_start3A_97 = arith.constant 0 : i32
      %dma_start3A_98 = arith.constant 0 : i32
      %dma_start3A_99 = tpu.memref_slice %arg11[%dma_start3A_97, %dma_start3A_98] : memref<10240x128xf32, #tpu.memory_space<vmem_shared>> -> memref<10240x128xf32, #tpu.memory_space<vmem_shared>>
      tpu.enqueue_indirect_dma source(%arg10 : memref<128x128xf32, #tpu.memory_space<vmem>>) target(%dma_start3A_99 : memref<10240x128xf32, #tpu.memory_space<vmem_shared>>) offsets(%dma_start3A_96 : memref<128xi32, #tpu.memory_space<vmem>>) semaphore(%arg15 : memref<!tpu.dma_semaphore, #tpu.memory_space<semaphore_mem>>) {add = true}
      %dma_wait3A_100 = arith.constant 0 : i32
      %dma_wait3A_101 = arith.constant 0 : i32
      %dma_wait3A_102 = tpu.memref_slice %arg8[%dma_wait3A_100, %dma_wait3A_101] : memref<40x128xi32, #tpu.memory_space<vmem>> -> memref<1x128xi32, #tpu.memory_space<vmem>>
      %dma_wait3A_103 = tpu.memref_squeeze %dma_wait3A_102 : memref<1x128xi32, #tpu.memory_space<vmem>> -> memref<128xi32, #tpu.memory_space<vmem>>
      %dma_wait3A_104 = arith.constant 0 : i32
      %dma_wait3A_105 = arith.constant 0 : i32
      %dma_wait3A_106 = tpu.memref_slice %arg11[%dma_wait3A_104, %dma_wait3A_105] : memref<10240x128xf32, #tpu.memory_space<vmem_shared>> -> memref<10240x128xf32, #tpu.memory_space<vmem_shared>>
      tpu.wait_indirect_dma semaphore(%arg14 : memref<!tpu.dma_semaphore, #tpu.memory_space<semaphore_mem>>) src(%arg9 : memref<128x128xf32, #tpu.memory_space<vmem>>) dst(%dma_wait3A_106 : memref<10240x128xf32, #tpu.memory_space<vmem_shared>>)
      %add3A_107 = arith.constant 2 : i32
      %add3A_108 = arith.addi %mul3A_69, %add3A_107 : i32
      %add3A_109 = arith.constant 0 : i32
      %add3A_110 = arith.addi %add3A_108, %add3A_109 : i32
      %dma_start3A_111 = arith.constant 0 : i32
      %dma_start3A_112 = tpu.memref_slice %arg7[%add3A_110, %dma_start3A_111] : memref<40x128xi32, #tpu.memory_space<vmem>> -> memref<1x128xi32, #tpu.memory_space<vmem>>
      %dma_start3A_113 = tpu.memref_squeeze %dma_start3A_112 : memref<1x128xi32, #tpu.memory_space<vmem>> -> memref<128xi32, #tpu.memory_space<vmem>>
      %dma_start3A_114 = arith.constant 0 : i32
      %dma_start3A_115 = arith.constant 0 : i32
      %dma_start3A_116 = tpu.memref_slice %arg2[%dma_start3A_114, %dma_start3A_115] : memref<10000x128xf32, #tpu.memory_space<hbm>> -> memref<10000x128xf32, #tpu.memory_space<hbm>>
      tpu.enqueue_indirect_dma source(%dma_start3A_116 : memref<10000x128xf32, #tpu.memory_space<hbm>>) target(%arg9 : memref<128x128xf32, #tpu.memory_space<vmem>>) offsets(%dma_start3A_113 : memref<128xi32, #tpu.memory_space<vmem>>) semaphore(%arg12 : memref<!tpu.dma_semaphore, #tpu.memory_space<semaphore_mem>>)
      %dma_wait3A_117 = arith.constant 0 : i32
      %dma_wait3A_118 = arith.constant 0 : i32
      %dma_wait3A_119 = tpu.memref_slice %arg8[%dma_wait3A_117, %dma_wait3A_118] : memref<40x128xi32, #tpu.memory_space<vmem>> -> memref<1x128xi32, #tpu.memory_space<vmem>>
      %dma_wait3A_120 = tpu.memref_squeeze %dma_wait3A_119 : memref<1x128xi32, #tpu.memory_space<vmem>> -> memref<128xi32, #tpu.memory_space<vmem>>
      %dma_wait3A_121 = arith.constant 0 : i32
      %dma_wait3A_122 = arith.constant 0 : i32
      %dma_wait3A_123 = tpu.memref_slice %arg11[%dma_wait3A_121, %dma_wait3A_122] : memref<10240x128xf32, #tpu.memory_space<vmem_shared>> -> memref<10240x128xf32, #tpu.memory_space<vmem_shared>>
      tpu.wait_indirect_dma semaphore(%arg15 : memref<!tpu.dma_semaphore, #tpu.memory_space<semaphore_mem>>) src(%arg10 : memref<128x128xf32, #tpu.memory_space<vmem>>) dst(%dma_wait3A_123 : memref<10240x128xf32, #tpu.memory_space<vmem_shared>>)
      %add3A_124 = arith.constant 2 : i32
      %add3A_125 = arith.addi %mul3A_69, %add3A_124 : i32
      %add3A_126 = arith.constant 1 : i32
      %add3A_127 = arith.addi %add3A_125, %add3A_126 : i32
      %dma_start3A_128 = arith.constant 0 : i32
      %dma_start3A_129 = tpu.memref_slice %arg7[%add3A_127, %dma_start3A_128] : memref<40x128xi32, #tpu.memory_space<vmem>> -> memref<1x128xi32, #tpu.memory_space<vmem>>
      %dma_start3A_130 = tpu.memref_squeeze %dma_start3A_129 : memref<1x128xi32, #tpu.memory_space<vmem>> -> memref<128xi32, #tpu.memory_space<vmem>>
      %dma_start3A_131 = arith.constant 0 : i32
      %dma_start3A_132 = arith.constant 0 : i32
      %dma_start3A_133 = tpu.memref_slice %arg2[%dma_start3A_131, %dma_start3A_132] : memref<10000x128xf32, #tpu.memory_space<hbm>> -> memref<10000x128xf32, #tpu.memory_space<hbm>>
      tpu.enqueue_indirect_dma source(%dma_start3A_133 : memref<10000x128xf32, #tpu.memory_space<hbm>>) target(%arg10 : memref<128x128xf32, #tpu.memory_space<vmem>>) offsets(%dma_start3A_130 : memref<128xi32, #tpu.memory_space<vmem>>) semaphore(%arg13 : memref<!tpu.dma_semaphore, #tpu.memory_space<semaphore_mem>>)
    }
    %scan3A_20 = arith.constant 19 : i32
    %dma_wait3A = arith.constant 0 : i32
    %dma_wait3A_21 = arith.constant 0 : i32
    %dma_wait3A_22 = tpu.memref_slice %arg7[%dma_wait3A, %dma_wait3A_21] : memref<40x128xi32, #tpu.memory_space<vmem>> -> memref<1x128xi32, #tpu.memory_space<vmem>>
    %dma_wait3A_23 = tpu.memref_squeeze %dma_wait3A_22 : memref<1x128xi32, #tpu.memory_space<vmem>> -> memref<128xi32, #tpu.memory_space<vmem>>
    %dma_wait3A_24 = arith.constant 0 : i32
    %dma_wait3A_25 = arith.constant 0 : i32
    %dma_wait3A_26 = tpu.memref_slice %arg2[%dma_wait3A_24, %dma_wait3A_25] : memref<10000x128xf32, #tpu.memory_space<hbm>> -> memref<10000x128xf32, #tpu.memory_space<hbm>>
    tpu.wait_indirect_dma semaphore(%arg12 : memref<!tpu.dma_semaphore, #tpu.memory_space<semaphore_mem>>) src(%dma_wait3A_26 : memref<10000x128xf32, #tpu.memory_space<hbm>>) dst(%arg9 : memref<128x128xf32, #tpu.memory_space<vmem>>)
    %dma_start3A_27 = arith.constant 38 : i32
    %dma_start3A_28 = arith.constant 0 : i32
    %dma_start3A_29 = tpu.memref_slice %arg8[%dma_start3A_27, %dma_start3A_28] : memref<40x128xi32, #tpu.memory_space<vmem>> -> memref<1x128xi32, #tpu.memory_space<vmem>>
    %dma_start3A_30 = tpu.memref_squeeze %dma_start3A_29 : memref<1x128xi32, #tpu.memory_space<vmem>> -> memref<128xi32, #tpu.memory_space<vmem>>
    %dma_start3A_31 = arith.constant 0 : i32
    %dma_start3A_32 = arith.constant 0 : i32
    %dma_start3A_33 = tpu.memref_slice %arg11[%dma_start3A_31, %dma_start3A_32] : memref<10240x128xf32, #tpu.memory_space<vmem_shared>> -> memref<10240x128xf32, #tpu.memory_space<vmem_shared>>
    tpu.enqueue_indirect_dma source(%arg9 : memref<128x128xf32, #tpu.memory_space<vmem>>) target(%dma_start3A_33 : memref<10240x128xf32, #tpu.memory_space<vmem_shared>>) offsets(%dma_start3A_30 : memref<128xi32, #tpu.memory_space<vmem>>) semaphore(%arg14 : memref<!tpu.dma_semaphore, #tpu.memory_space<semaphore_mem>>) {add = true}
    %dma_wait3A_34 = arith.constant 0 : i32
    %dma_wait3A_35 = arith.constant 0 : i32
    %dma_wait3A_36 = tpu.memref_slice %arg7[%dma_wait3A_34, %dma_wait3A_35] : memref<40x128xi32, #tpu.memory_space<vmem>> -> memref<1x128xi32, #tpu.memory_space<vmem>>
    %dma_wait3A_37 = tpu.memref_squeeze %dma_wait3A_36 : memref<1x128xi32, #tpu.memory_space<vmem>> -> memref<128xi32, #tpu.memory_space<vmem>>
    %dma_wait3A_38 = arith.constant 0 : i32
    %dma_wait3A_39 = arith.constant 0 : i32
    %dma_wait3A_40 = tpu.memref_slice %arg2[%dma_wait3A_38, %dma_wait3A_39] : memref<10000x128xf32, #tpu.memory_space<hbm>> -> memref<10000x128xf32, #tpu.memory_space<hbm>>
    tpu.wait_indirect_dma semaphore(%arg13 : memref<!tpu.dma_semaphore, #tpu.memory_space<semaphore_mem>>) src(%dma_wait3A_40 : memref<10000x128xf32, #tpu.memory_space<hbm>>) dst(%arg10 : memref<128x128xf32, #tpu.memory_space<vmem>>)
    %dma_start3A_41 = arith.constant 39 : i32
    %dma_start3A_42 = arith.constant 0 : i32
    %dma_start3A_43 = tpu.memref_slice %arg8[%dma_start3A_41, %dma_start3A_42] : memref<40x128xi32, #tpu.memory_space<vmem>> -> memref<1x128xi32, #tpu.memory_space<vmem>>
    %dma_start3A_44 = tpu.memref_squeeze %dma_start3A_43 : memref<1x128xi32, #tpu.memory_space<vmem>> -> memref<128xi32, #tpu.memory_space<vmem>>
    %dma_start3A_45 = arith.constant 0 : i32
    %dma_start3A_46 = arith.constant 0 : i32
    %dma_start3A_47 = tpu.memref_slice %arg11[%dma_start3A_45, %dma_start3A_46] : memref<10240x128xf32, #tpu.memory_space<vmem_shared>> -> memref<10240x128xf32, #tpu.memory_space<vmem_shared>>
    tpu.enqueue_indirect_dma source(%arg10 : memref<128x128xf32, #tpu.memory_space<vmem>>) target(%dma_start3A_47 : memref<10240x128xf32, #tpu.memory_space<vmem_shared>>) offsets(%dma_start3A_44 : memref<128xi32, #tpu.memory_space<vmem>>) semaphore(%arg15 : memref<!tpu.dma_semaphore, #tpu.memory_space<semaphore_mem>>) {add = true}
    %dma_wait3A_48 = arith.constant 0 : i32
    %dma_wait3A_49 = arith.constant 0 : i32
    %dma_wait3A_50 = tpu.memref_slice %arg8[%dma_wait3A_48, %dma_wait3A_49] : memref<40x128xi32, #tpu.memory_space<vmem>> -> memref<1x128xi32, #tpu.memory_space<vmem>>
    %dma_wait3A_51 = tpu.memref_squeeze %dma_wait3A_50 : memref<1x128xi32, #tpu.memory_space<vmem>> -> memref<128xi32, #tpu.memory_space<vmem>>
    %dma_wait3A_52 = arith.constant 0 : i32
    %dma_wait3A_53 = arith.constant 0 : i32
    %dma_wait3A_54 = tpu.memref_slice %arg11[%dma_wait3A_52, %dma_wait3A_53] : memref<10240x128xf32, #tpu.memory_space<vmem_shared>> -> memref<10240x128xf32, #tpu.memory_space<vmem_shared>>
    tpu.wait_indirect_dma semaphore(%arg14 : memref<!tpu.dma_semaphore, #tpu.memory_space<semaphore_mem>>) src(%arg9 : memref<128x128xf32, #tpu.memory_space<vmem>>) dst(%dma_wait3A_54 : memref<10240x128xf32, #tpu.memory_space<vmem_shared>>)
    %dma_wait3A_55 = arith.constant 0 : i32
    %dma_wait3A_56 = arith.constant 0 : i32
    %dma_wait3A_57 = tpu.memref_slice %arg8[%dma_wait3A_55, %dma_wait3A_56] : memref<40x128xi32, #tpu.memory_space<vmem>> -> memref<1x128xi32, #tpu.memory_space<vmem>>
    %dma_wait3A_58 = tpu.memref_squeeze %dma_wait3A_57 : memref<1x128xi32, #tpu.memory_space<vmem>> -> memref<128xi32, #tpu.memory_space<vmem>>
    %dma_wait3A_59 = arith.constant 0 : i32
    %dma_wait3A_60 = arith.constant 0 : i32
    %dma_wait3A_61 = tpu.memref_slice %arg11[%dma_wait3A_59, %dma_wait3A_60] : memref<10240x128xf32, #tpu.memory_space<vmem_shared>> -> memref<10240x128xf32, #tpu.memory_space<vmem_shared>>
    tpu.wait_indirect_dma semaphore(%arg15 : memref<!tpu.dma_semaphore, #tpu.memory_space<semaphore_mem>>) src(%arg10 : memref<128x128xf32, #tpu.memory_space<vmem>>) dst(%dma_wait3A_61 : memref<10240x128xf32, #tpu.memory_space<vmem_shared>>)
    %barrier3A_62 = arith.constant 0 : index
    tpu.barrier barrier_id(%barrier3A_62)
    %mul3A_63 = arith.constant 640 : i32
    %mul3A_64 = arith.muli %arg1, %mul3A_63 : i32
    %mul3A_65 = arith.constant 640 : i32
    %mul3A_66 = arith.muli %arg1, %mul3A_65 : i32
    "tpu.region"() ({
      %run_scoped3A = tpu.sem_alloc : memref<!tpu.dma_semaphore, #tpu.memory_space<semaphore_mem>>
      %dma_start3A_67 = arith.constant 0 : i32
      %dma_start3A_68 = tpu.memref_slice %arg6[%arg0, %mul3A_66, %dma_start3A_67] : memref<2x10240x128xf32, #tpu.memory_space<hbm>> -> memref<1x640x128xf32, #tpu.memory_space<hbm>>
      %dma_start3A_69 = tpu.memref_squeeze %dma_start3A_68 : memref<1x640x128xf32, #tpu.memory_space<hbm>> -> memref<640x128xf32, #tpu.memory_space<hbm>>
      %dma_start3A_70 = arith.constant 0 : i32
      %dma_start3A_71 = tpu.memref_slice %arg11[%mul3A_64, %dma_start3A_70] : memref<10240x128xf32, #tpu.memory_space<vmem_shared>> -> memref<640x128xf32, #tpu.memory_space<vmem_shared>>
      tpu.enqueue_dma source(%dma_start3A_71 : memref<640x128xf32, #tpu.memory_space<vmem_shared>>) target(%dma_start3A_69 : memref<640x128xf32, #tpu.memory_space<hbm>>) target_semaphore(%run_scoped3A : memref<!tpu.dma_semaphore, #tpu.memory_space<semaphore_mem>>)
      %dma_wait3A_72 = arith.constant 0 : i32
      %dma_wait3A_73 = tpu.memref_slice %arg6[%arg0, %mul3A_66, %dma_wait3A_72] : memref<2x10240x128xf32, #tpu.memory_space<hbm>> -> memref<1x640x128xf32, #tpu.memory_space<hbm>>
      %dma_wait3A_74 = tpu.memref_squeeze %dma_wait3A_73 : memref<1x640x128xf32, #tpu.memory_space<hbm>> -> memref<640x128xf32, #tpu.memory_space<hbm>>
      %dma_wait3A_75 = arith.constant 0 : i32
      %dma_wait3A_76 = tpu.memref_slice %arg11[%mul3A_64, %dma_wait3A_75] : memref<10240x128xf32, #tpu.memory_space<vmem_shared>> -> memref<640x128xf32, #tpu.memory_space<vmem_shared>>
      tpu.wait_dma2 semaphore(%run_scoped3A : memref<!tpu.dma_semaphore, #tpu.memory_space<semaphore_mem>>) src(%dma_wait3A_76 : memref<640x128xf32, #tpu.memory_space<vmem_shared>>) dst(%dma_wait3A_74 : memref<640x128xf32, #tpu.memory_space<hbm>>)
      tpu.yield
    }) : () -> ()
    return
  }
}

module attributes {stable_mosaic.version = 14 : i64} {
  func.func @_tc_round0_body(%arg0: i32, %arg1: memref<2000x3xf32, #tpu.memory_space<vmem>>, %arg2: memref<3x100xf32, #tpu.memory_space<vmem>>, %arg3: memref<3x100xf32, #tpu.memory_space<vmem>>, %arg4: memref<3x100xf32, #tpu.memory_space<vmem>>, %arg5: memref<1x100xf32, #tpu.memory_space<vmem>>, %arg6: memref<1x100xf32, #tpu.memory_space<vmem>>, %arg7: memref<1x100xf32, #tpu.memory_space<vmem>>, %arg8: memref<1x100xf32, #tpu.memory_space<vmem>>, %arg9: memref<1x100xf32, #tpu.memory_space<vmem>>, %arg10: memref<1x100xf32, #tpu.memory_space<vmem>>, %arg11: memref<100x100xf32, #tpu.memory_space<vmem>>, %arg12: memref<1x100xf32, #tpu.memory_space<vmem>>, %arg13: memref<100x100xf32, #tpu.memory_space<vmem>>, %arg14: memref<100x3xf32, #tpu.memory_space<vmem>>, %arg15: memref<1x3xf32, #tpu.memory_space<vmem>>, %arg16: memref<2000x128xf32, #tpu.memory_space<vmem>>, %arg17: memref<2000x3xf32, #tpu.memory_space<vmem>>) attributes {dimension_semantics = [#tpu.dimension_semantics<arbitrary>], iteration_bounds = array<i64: 5>, scalar_prefetch = 0 : i64, scratch_operands = 0 : i64, tpu.core_type = #tpu.core_type<tc>, window_params = [{transform_indices = @transform_0, window_bounds = array<i64: 2000, 3>}, {pipeline_mode = #tpu.pipeline_mode<synchronous>, transform_indices = @transform_1, window_bounds = array<i64: 3, 100>}, {pipeline_mode = #tpu.pipeline_mode<synchronous>, transform_indices = @transform_2, window_bounds = array<i64: 3, 100>}, {pipeline_mode = #tpu.pipeline_mode<synchronous>, transform_indices = @transform_3, window_bounds = array<i64: 3, 100>}, {pipeline_mode = #tpu.pipeline_mode<synchronous>, transform_indices = @transform_4, window_bounds = array<i64: 1, 100>}, {pipeline_mode = #tpu.pipeline_mode<synchronous>, transform_indices = @transform_5, window_bounds = array<i64: 1, 100>}, {pipeline_mode = #tpu.pipeline_mode<synchronous>, transform_indices = @transform_6, window_bounds = array<i64: 1, 100>}, {pipeline_mode = #tpu.pipeline_mode<synchronous>, transform_indices = @transform_7, window_bounds = array<i64: 1, 100>}, {pipeline_mode = #tpu.pipeline_mode<synchronous>, transform_indices = @transform_8, window_bounds = array<i64: 1, 100>}, {pipeline_mode = #tpu.pipeline_mode<synchronous>, transform_indices = @transform_9, window_bounds = array<i64: 1, 100>}, {pipeline_mode = #tpu.pipeline_mode<synchronous>, transform_indices = @transform_10, window_bounds = array<i64: 100, 100>}, {pipeline_mode = #tpu.pipeline_mode<synchronous>, transform_indices = @transform_11, window_bounds = array<i64: 1, 100>}, {pipeline_mode = #tpu.pipeline_mode<synchronous>, transform_indices = @transform_12, window_bounds = array<i64: 100, 100>}, {pipeline_mode = #tpu.pipeline_mode<synchronous>, transform_indices = @transform_13, window_bounds = array<i64: 100, 3>}, {pipeline_mode = #tpu.pipeline_mode<synchronous>, transform_indices = @transform_14, window_bounds = array<i64: 1, 3>}, {transform_indices = @transform_15, window_bounds = array<i64: 2000, 128>}, {transform_indices = @transform_16, window_bounds = array<i64: 2000, 3>}]} {
    %get3A = arith.constant 0 : index
    %get3A_0 = arith.constant 0 : index
    %get3A_1 = vector.load %arg1[%get3A, %get3A_0] : memref<2000x3xf32, #tpu.memory_space<vmem>>, vector<2000x3xf32>
    %get3A_2 = arith.constant 0 : index
    %get3A_3 = arith.constant 0 : index
    %get3A_4 = vector.load %arg2[%get3A_2, %get3A_3] : memref<3x100xf32, #tpu.memory_space<vmem>>, vector<3x100xf32>
    %dot_general3A = arith.constant dense<0.000000e+00> : vector<2000x100xf32>
    %dot_general3A_5 = tpu.matmul %get3A_1, %get3A_4, %dot_general3A {dimension_numbers = #tpu.dot_dimension_numbers<[1], [0], [0], [1], [0, 0, 1, 1], [], []>, transpose_lhs_hint = false} : vector<2000x3xf32>, vector<3x100xf32>, vector<2000x100xf32> -> vector<2000x100xf32>
    %get3A_6 = arith.constant 0 : index
    %get3A_7 = arith.constant 0 : index
    %get3A_8 = vector.load %arg5[%get3A_6, %get3A_7] : memref<1x100xf32, #tpu.memory_space<vmem>>, vector<1x100xf32>
    %add3A = vector.broadcast %get3A_8 : vector<1x100xf32> to vector<2000x100xf32>
    %add3A_9 = arith.addf %dot_general3A_5, %add3A : vector<2000x100xf32>
    %get3A_10 = arith.constant 0 : index
    %get3A_11 = arith.constant 0 : index
    %get3A_12 = vector.load %arg3[%get3A_10, %get3A_11] : memref<3x100xf32, #tpu.memory_space<vmem>>, vector<3x100xf32>
    %dot_general3A_13 = arith.constant dense<0.000000e+00> : vector<2000x100xf32>
    %dot_general3A_14 = tpu.matmul %get3A_1, %get3A_12, %dot_general3A_13 {dimension_numbers = #tpu.dot_dimension_numbers<[1], [0], [0], [1], [0, 0, 1, 1], [], []>, transpose_lhs_hint = false} : vector<2000x3xf32>, vector<3x100xf32>, vector<2000x100xf32> -> vector<2000x100xf32>
    %get3A_15 = arith.constant 0 : index
    %get3A_16 = arith.constant 0 : index
    %get3A_17 = vector.load %arg6[%get3A_15, %get3A_16] : memref<1x100xf32, #tpu.memory_space<vmem>>, vector<1x100xf32>
    %add3A_18 = vector.broadcast %get3A_17 : vector<1x100xf32> to vector<2000x100xf32>
    %add3A_19 = arith.addf %dot_general3A_14, %add3A_18 : vector<2000x100xf32>
    %get3A_20 = arith.constant 0 : index
    %get3A_21 = arith.constant 0 : index
    %get3A_22 = vector.load %arg4[%get3A_20, %get3A_21] : memref<3x100xf32, #tpu.memory_space<vmem>>, vector<3x100xf32>
    %dot_general3A_23 = arith.constant dense<0.000000e+00> : vector<2000x100xf32>
    %dot_general3A_24 = tpu.matmul %get3A_1, %get3A_22, %dot_general3A_23 {dimension_numbers = #tpu.dot_dimension_numbers<[1], [0], [0], [1], [0, 0, 1, 1], [], []>, transpose_lhs_hint = false} : vector<2000x3xf32>, vector<3x100xf32>, vector<2000x100xf32> -> vector<2000x100xf32>
    %get3A_25 = arith.constant 0 : index
    %get3A_26 = arith.constant 0 : index
    %get3A_27 = vector.load %arg7[%get3A_25, %get3A_26] : memref<1x100xf32, #tpu.memory_space<vmem>>, vector<1x100xf32>
    %add3A_28 = vector.broadcast %get3A_27 : vector<1x100xf32> to vector<2000x100xf32>
    %add3A_29 = arith.addf %dot_general3A_24, %add3A_28 : vector<2000x100xf32>
    %get3A_30 = arith.constant 0 : index
    %get3A_31 = arith.constant 0 : index
    %get3A_32 = vector.load %arg8[%get3A_30, %get3A_31] : memref<1x100xf32, #tpu.memory_space<vmem>>, vector<1x100xf32>
    %add3A_33 = vector.broadcast %get3A_32 : vector<1x100xf32> to vector<2000x100xf32>
    %add3A_34 = arith.addf %add3A_9, %add3A_33 : vector<2000x100xf32>
    %logistic3A = arith.negf %add3A_34 : vector<2000x100xf32>
    %logistic3A_35 = math.exp %logistic3A : vector<2000x100xf32>
    %logistic3A_36 = arith.constant 1.000000e+00 : f32
    %logistic3A_37 = vector.broadcast %logistic3A_36 : f32 to vector<2000x100xf32>
    %logistic3A_38 = arith.addf %logistic3A_37, %logistic3A_35 : vector<2000x100xf32>
    %logistic3A_39 = arith.divf %logistic3A_37, %logistic3A_38 : vector<2000x100xf32>
    %get3A_40 = arith.constant 0 : index
    %get3A_41 = arith.constant 0 : index
    %get3A_42 = vector.load %arg9[%get3A_40, %get3A_41] : memref<1x100xf32, #tpu.memory_space<vmem>>, vector<1x100xf32>
    %add3A_43 = vector.broadcast %get3A_42 : vector<1x100xf32> to vector<2000x100xf32>
    %add3A_44 = arith.addf %add3A_19, %add3A_43 : vector<2000x100xf32>
    %logistic3A_45 = arith.negf %add3A_44 : vector<2000x100xf32>
    %logistic3A_46 = math.exp %logistic3A_45 : vector<2000x100xf32>
    %logistic3A_47 = arith.constant 1.000000e+00 : f32
    %logistic3A_48 = vector.broadcast %logistic3A_47 : f32 to vector<2000x100xf32>
    %logistic3A_49 = arith.addf %logistic3A_48, %logistic3A_46 : vector<2000x100xf32>
    %logistic3A_50 = arith.divf %logistic3A_48, %logistic3A_49 : vector<2000x100xf32>
    %get3A_51 = arith.constant 0 : index
    %get3A_52 = arith.constant 0 : index
    %get3A_53 = vector.load %arg10[%get3A_51, %get3A_52] : memref<1x100xf32, #tpu.memory_space<vmem>>, vector<1x100xf32>
    %mul3A = vector.broadcast %get3A_53 : vector<1x100xf32> to vector<2000x100xf32>
    %mul3A_54 = arith.mulf %logistic3A_39, %mul3A : vector<2000x100xf32>
    %add3A_55 = arith.addf %add3A_29, %mul3A_54 : vector<2000x100xf32>
    %tanh3A = math.tanh %add3A_55 : vector<2000x100xf32>
    %sub3A = arith.constant 1.000000e+00 : f32
    %sub3A_56 = vector.broadcast %sub3A : f32 to vector<2000x100xf32>
    %sub3A_57 = arith.subf %sub3A_56, %logistic3A_50 : vector<2000x100xf32>
    %mul3A_58 = arith.mulf %sub3A_57, %tanh3A : vector<2000x100xf32>
    %get3A_59 = arith.constant 0 : index
    %get3A_60 = arith.constant 0 : index
    %get3A_61 = vector.load %arg11[%get3A_59, %get3A_60] : memref<100x100xf32, #tpu.memory_space<vmem>>, vector<100x100xf32>
    %dot_general3A_62 = arith.constant dense<0.000000e+00> : vector<2000x100xf32>
    %dot_general3A_63 = tpu.matmul %mul3A_58, %get3A_61, %dot_general3A_62 {dimension_numbers = #tpu.dot_dimension_numbers<[1], [0], [0], [1], [0, 0, 1, 1], [], []>, transpose_lhs_hint = false} : vector<2000x100xf32>, vector<100x100xf32>, vector<2000x100xf32> -> vector<2000x100xf32>
    %get3A_64 = arith.constant 0 : index
    %get3A_65 = arith.constant 0 : index
    %get3A_66 = vector.load %arg12[%get3A_64, %get3A_65] : memref<1x100xf32, #tpu.memory_space<vmem>>, vector<1x100xf32>
    %add3A_67 = vector.broadcast %get3A_66 : vector<1x100xf32> to vector<2000x100xf32>
    %add3A_68 = arith.addf %dot_general3A_63, %add3A_67 : vector<2000x100xf32>
    %logistic3A_69 = arith.negf %add3A_68 : vector<2000x100xf32>
    %logistic3A_70 = math.exp %logistic3A_69 : vector<2000x100xf32>
    %logistic3A_71 = arith.constant 1.000000e+00 : f32
    %logistic3A_72 = vector.broadcast %logistic3A_71 : f32 to vector<2000x100xf32>
    %logistic3A_73 = arith.addf %logistic3A_72, %logistic3A_70 : vector<2000x100xf32>
    %logistic3A_74 = arith.divf %logistic3A_72, %logistic3A_73 : vector<2000x100xf32>
    %get3A_75 = arith.constant 0 : index
    %get3A_76 = arith.constant 0 : index
    %get3A_77 = vector.load %arg13[%get3A_75, %get3A_76] : memref<100x100xf32, #tpu.memory_space<vmem>>, vector<100x100xf32>
    %dot_general3A_78 = arith.constant dense<0.000000e+00> : vector<2000x100xf32>
    %dot_general3A_79 = tpu.matmul %mul3A_58, %get3A_77, %dot_general3A_78 {dimension_numbers = #tpu.dot_dimension_numbers<[1], [0], [0], [1], [0, 0, 1, 1], [], []>, transpose_lhs_hint = false} : vector<2000x100xf32>, vector<100x100xf32>, vector<2000x100xf32> -> vector<2000x100xf32>
    %mul3A_80 = arith.mulf %logistic3A_74, %dot_general3A_79 : vector<2000x100xf32>
    %broadcast_in_dim3A = arith.constant 0.000000e+00 : f32
    %broadcast_in_dim3A_81 = vector.broadcast %broadcast_in_dim3A : f32 to vector<2000x28xf32>
    %concatenate3A = tpu.concatenate %mul3A_80, %broadcast_in_dim3A_81 in 1 : vector<2000x100xf32>, vector<2000x28xf32> -> vector<2000x128xf32>
    %swap3A = arith.constant 0 : index
    %swap3A_82 = arith.constant 0 : index
    %swap3A_83 = vector.load %arg16[%swap3A, %swap3A_82] : memref<2000x128xf32, #tpu.memory_space<vmem>>, vector<2000x128xf32>
    tpu.vector_store %arg16[%swap3A, %swap3A_82], %concatenate3A {strides = array<i32>} : memref<2000x128xf32, #tpu.memory_space<vmem>>, vector<2000x128xf32>,
    %get3A_84 = arith.constant 0 : index
    %get3A_85 = arith.constant 0 : index
    %get3A_86 = vector.load %arg14[%get3A_84, %get3A_85] : memref<100x3xf32, #tpu.memory_space<vmem>>, vector<100x3xf32>
    %dot_general3A_87 = arith.constant dense<0.000000e+00> : vector<2000x3xf32>
    %dot_general3A_88 = tpu.matmul %mul3A_58, %get3A_86, %dot_general3A_87 {dimension_numbers = #tpu.dot_dimension_numbers<[1], [0], [0], [1], [0, 0, 1, 1], [], []>, transpose_lhs_hint = false} : vector<2000x100xf32>, vector<100x3xf32>, vector<2000x3xf32> -> vector<2000x3xf32>
    %get3A_89 = arith.constant 0 : index
    %get3A_90 = arith.constant 0 : index
    %get3A_91 = vector.load %arg15[%get3A_89, %get3A_90] : memref<1x3xf32, #tpu.memory_space<vmem>>, vector<1x3xf32>
    %add3A_92 = vector.broadcast %get3A_91 : vector<1x3xf32> to vector<2000x3xf32>
    %add3A_93 = arith.addf %dot_general3A_88, %add3A_92 : vector<2000x3xf32>
    %swap3A_94 = arith.constant 0 : index
    %swap3A_95 = arith.constant 0 : index
    %swap3A_96 = vector.load %arg17[%swap3A_94, %swap3A_95] : memref<2000x3xf32, #tpu.memory_space<vmem>>, vector<2000x3xf32>
    tpu.vector_store %arg17[%swap3A_94, %swap3A_95], %add3A_93 {strides = array<i32>} : memref<2000x3xf32, #tpu.memory_space<vmem>>, vector<2000x3xf32>,
    return
  }
  func.func @transform_0(%arg0: i32) -> (i32, i32) {
    %c0_i32 = arith.constant 0 : i32
    %c0_i32_0 = arith.constant 0 : i32
    return %arg0, %c0_i32 : i32, i32
  }
  func.func @transform_1(%arg0: i32) -> (i32, i32) {
    %c0_i32 = arith.constant 0 : i32
    %c0_i32_0 = arith.constant 0 : i32
    %c0_i32_1 = arith.constant 0 : i32
    return %c0_i32, %c0_i32_0 : i32, i32
  }
  func.func @transform_2(%arg0: i32) -> (i32, i32) {
    %c0_i32 = arith.constant 0 : i32
    %c0_i32_0 = arith.constant 0 : i32
    %c0_i32_1 = arith.constant 0 : i32
    return %c0_i32, %c0_i32_0 : i32, i32
  }
  func.func @transform_3(%arg0: i32) -> (i32, i32) {
    %c0_i32 = arith.constant 0 : i32
    %c0_i32_0 = arith.constant 0 : i32
    %c0_i32_1 = arith.constant 0 : i32
    return %c0_i32, %c0_i32_0 : i32, i32
  }
  func.func @transform_4(%arg0: i32) -> (i32, i32) {
    %c0_i32 = arith.constant 0 : i32
    %c0_i32_0 = arith.constant 0 : i32
    %c0_i32_1 = arith.constant 0 : i32
    return %c0_i32, %c0_i32_0 : i32, i32
  }
  func.func @transform_5(%arg0: i32) -> (i32, i32) {
    %c0_i32 = arith.constant 0 : i32
    %c0_i32_0 = arith.constant 0 : i32
    %c0_i32_1 = arith.constant 0 : i32
    return %c0_i32, %c0_i32_0 : i32, i32
  }
  func.func @transform_6(%arg0: i32) -> (i32, i32) {
    %c0_i32 = arith.constant 0 : i32
    %c0_i32_0 = arith.constant 0 : i32
    %c0_i32_1 = arith.constant 0 : i32
    return %c0_i32, %c0_i32_0 : i32, i32
  }
  func.func @transform_7(%arg0: i32) -> (i32, i32) {
    %c0_i32 = arith.constant 0 : i32
    %c0_i32_0 = arith.constant 0 : i32
    %c0_i32_1 = arith.constant 0 : i32
    return %c0_i32, %c0_i32_0 : i32, i32
  }
  func.func @transform_8(%arg0: i32) -> (i32, i32) {
    %c0_i32 = arith.constant 0 : i32
    %c0_i32_0 = arith.constant 0 : i32
    %c0_i32_1 = arith.constant 0 : i32
    return %c0_i32, %c0_i32_0 : i32, i32
  }
  func.func @transform_9(%arg0: i32) -> (i32, i32) {
    %c0_i32 = arith.constant 0 : i32
    %c0_i32_0 = arith.constant 0 : i32
    %c0_i32_1 = arith.constant 0 : i32
    return %c0_i32, %c0_i32_0 : i32, i32
  }
  func.func @transform_10(%arg0: i32) -> (i32, i32) {
    %c0_i32 = arith.constant 0 : i32
    %c0_i32_0 = arith.constant 0 : i32
    %c0_i32_1 = arith.constant 0 : i32
    return %c0_i32, %c0_i32_0 : i32, i32
  }
  func.func @transform_11(%arg0: i32) -> (i32, i32) {
    %c0_i32 = arith.constant 0 : i32
    %c0_i32_0 = arith.constant 0 : i32
    %c0_i32_1 = arith.constant 0 : i32
    return %c0_i32, %c0_i32_0 : i32, i32
  }
  func.func @transform_12(%arg0: i32) -> (i32, i32) {
    %c0_i32 = arith.constant 0 : i32
    %c0_i32_0 = arith.constant 0 : i32
    %c0_i32_1 = arith.constant 0 : i32
    return %c0_i32, %c0_i32_0 : i32, i32
  }
  func.func @transform_13(%arg0: i32) -> (i32, i32) {
    %c0_i32 = arith.constant 0 : i32
    %c0_i32_0 = arith.constant 0 : i32
    %c0_i32_1 = arith.constant 0 : i32
    return %c0_i32, %c0_i32_0 : i32, i32
  }
  func.func @transform_14(%arg0: i32) -> (i32, i32) {
    %c0_i32 = arith.constant 0 : i32
    %c0_i32_0 = arith.constant 0 : i32
    %c0_i32_1 = arith.constant 0 : i32
    return %c0_i32, %c0_i32_0 : i32, i32
  }
  func.func @transform_15(%arg0: i32) -> (i32, i32) {
    %c0_i32 = arith.constant 0 : i32
    %c0_i32_0 = arith.constant 0 : i32
    return %arg0, %c0_i32 : i32, i32
  }
  func.func @transform_16(%arg0: i32) -> (i32, i32) {
    %c0_i32 = arith.constant 0 : i32
    %c0_i32_0 = arith.constant 0 : i32
    return %arg0, %c0_i32 : i32, i32
  }
}

module attributes {stable_mosaic.version = 14 : i64} {
  func.func @_tc_round_body(%arg0: i32, %arg1: memref<2000x3xf32, #tpu.memory_space<vmem>>, %arg2: memref<1x2000x128xf32, #tpu.memory_space<vmem>>, %arg3: memref<1x2000x128xf32, #tpu.memory_space<vmem>>, %arg4: memref<3x100xf32, #tpu.memory_space<vmem>>, %arg5: memref<3x100xf32, #tpu.memory_space<vmem>>, %arg6: memref<3x100xf32, #tpu.memory_space<vmem>>, %arg7: memref<1x100xf32, #tpu.memory_space<vmem>>, %arg8: memref<1x100xf32, #tpu.memory_space<vmem>>, %arg9: memref<1x100xf32, #tpu.memory_space<vmem>>, %arg10: memref<128x100xf32, #tpu.memory_space<vmem>>, %arg11: memref<128x100xf32, #tpu.memory_space<vmem>>, %arg12: memref<128x100xf32, #tpu.memory_space<vmem>>, %arg13: memref<1x100xf32, #tpu.memory_space<vmem>>, %arg14: memref<1x100xf32, #tpu.memory_space<vmem>>, %arg15: memref<1x100xf32, #tpu.memory_space<vmem>>, %arg16: memref<100x100xf32, #tpu.memory_space<vmem>>, %arg17: memref<1x100xf32, #tpu.memory_space<vmem>>, %arg18: memref<100x100xf32, #tpu.memory_space<vmem>>, %arg19: memref<100x3xf32, #tpu.memory_space<vmem>>, %arg20: memref<1x3xf32, #tpu.memory_space<vmem>>, %arg21: memref<2000x128xf32, #tpu.memory_space<vmem>>, %arg22: memref<2000x3xf32, #tpu.memory_space<vmem>>) attributes {dimension_semantics = [#tpu.dimension_semantics<arbitrary>], iteration_bounds = array<i64: 5>, scalar_prefetch = 0 : i64, scratch_operands = 0 : i64, tpu.core_type = #tpu.core_type<tc>, window_params = [{transform_indices = @transform_0, window_bounds = array<i64: 2000, 3>}, {transform_indices = @transform_1, window_bounds = array<i64: 1, 2000, 128>}, {transform_indices = @transform_2, window_bounds = array<i64: 1, 2000, 128>}, {pipeline_mode = #tpu.pipeline_mode<synchronous>, transform_indices = @transform_3, window_bounds = array<i64: 3, 100>}, {pipeline_mode = #tpu.pipeline_mode<synchronous>, transform_indices = @transform_4, window_bounds = array<i64: 3, 100>}, {pipeline_mode = #tpu.pipeline_mode<synchronous>, transform_indices = @transform_5, window_bounds = array<i64: 3, 100>}, {pipeline_mode = #tpu.pipeline_mode<synchronous>, transform_indices = @transform_6, window_bounds = array<i64: 1, 100>}, {pipeline_mode = #tpu.pipeline_mode<synchronous>, transform_indices = @transform_7, window_bounds = array<i64: 1, 100>}, {pipeline_mode = #tpu.pipeline_mode<synchronous>, transform_indices = @transform_8, window_bounds = array<i64: 1, 100>}, {pipeline_mode = #tpu.pipeline_mode<synchronous>, transform_indices = @transform_9, window_bounds = array<i64: 128, 100>}, {pipeline_mode = #tpu.pipeline_mode<synchronous>, transform_indices = @transform_10, window_bounds = array<i64: 128, 100>}, {pipeline_mode = #tpu.pipeline_mode<synchronous>, transform_indices = @transform_11, window_bounds = array<i64: 128, 100>}, {pipeline_mode = #tpu.pipeline_mode<synchronous>, transform_indices = @transform_12, window_bounds = array<i64: 1, 100>}, {pipeline_mode = #tpu.pipeline_mode<synchronous>, transform_indices = @transform_13, window_bounds = array<i64: 1, 100>}, {pipeline_mode = #tpu.pipeline_mode<synchronous>, transform_indices = @transform_14, window_bounds = array<i64: 1, 100>}, {pipeline_mode = #tpu.pipeline_mode<synchronous>, transform_indices = @transform_15, window_bounds = array<i64: 100, 100>}, {pipeline_mode = #tpu.pipeline_mode<synchronous>, transform_indices = @transform_16, window_bounds = array<i64: 1, 100>}, {pipeline_mode = #tpu.pipeline_mode<synchronous>, transform_indices = @transform_17, window_bounds = array<i64: 100, 100>}, {pipeline_mode = #tpu.pipeline_mode<synchronous>, transform_indices = @transform_18, window_bounds = array<i64: 100, 3>}, {pipeline_mode = #tpu.pipeline_mode<synchronous>, transform_indices = @transform_19, window_bounds = array<i64: 1, 3>}, {transform_indices = @transform_20, window_bounds = array<i64: 2000, 128>}, {transform_indices = @transform_21, window_bounds = array<i64: 2000, 3>}]} {
    %get3A = arith.constant 0 : index
    %get3A_0 = arith.constant 0 : index
    %get3A_1 = arith.constant 0 : index
    %get3A_2 = vector.load %arg2[%get3A, %get3A_0, %get3A_1] : memref<1x2000x128xf32, #tpu.memory_space<vmem>>, vector<1x2000x128xf32>
    %get3A_3 = vector.shape_cast %get3A_2 : vector<1x2000x128xf32> to vector<2000x128xf32>
    %get3A_4 = arith.constant 0 : index
    %get3A_5 = arith.constant 0 : index
    %get3A_6 = arith.constant 0 : index
    %get3A_7 = vector.load %arg3[%get3A_4, %get3A_5, %get3A_6] : memref<1x2000x128xf32, #tpu.memory_space<vmem>>, vector<1x2000x128xf32>
    %get3A_8 = vector.shape_cast %get3A_7 : vector<1x2000x128xf32> to vector<2000x128xf32>
    %add3A = arith.addf %get3A_3, %get3A_8 : vector<2000x128xf32>
    %get3A_9 = arith.constant 0 : index
    %get3A_10 = arith.constant 0 : index
    %get3A_11 = vector.load %arg1[%get3A_9, %get3A_10] : memref<2000x3xf32, #tpu.memory_space<vmem>>, vector<2000x3xf32>
    %get3A_12 = arith.constant 0 : index
    %get3A_13 = arith.constant 0 : index
    %get3A_14 = vector.load %arg4[%get3A_12, %get3A_13] : memref<3x100xf32, #tpu.memory_space<vmem>>, vector<3x100xf32>
    %dot_general3A = arith.constant dense<0.000000e+00> : vector<2000x100xf32>
    %dot_general3A_15 = tpu.matmul %get3A_11, %get3A_14, %dot_general3A {dimension_numbers = #tpu.dot_dimension_numbers<[1], [0], [0], [1], [0, 0, 1, 1], [], []>, transpose_lhs_hint = false} : vector<2000x3xf32>, vector<3x100xf32>, vector<2000x100xf32> -> vector<2000x100xf32>
    %get3A_16 = arith.constant 0 : index
    %get3A_17 = arith.constant 0 : index
    %get3A_18 = vector.load %arg7[%get3A_16, %get3A_17] : memref<1x100xf32, #tpu.memory_space<vmem>>, vector<1x100xf32>
    %add3A_19 = vector.broadcast %get3A_18 : vector<1x100xf32> to vector<2000x100xf32>
    %add3A_20 = arith.addf %dot_general3A_15, %add3A_19 : vector<2000x100xf32>
    %get3A_21 = arith.constant 0 : index
    %get3A_22 = arith.constant 0 : index
    %get3A_23 = vector.load %arg5[%get3A_21, %get3A_22] : memref<3x100xf32, #tpu.memory_space<vmem>>, vector<3x100xf32>
    %dot_general3A_24 = arith.constant dense<0.000000e+00> : vector<2000x100xf32>
    %dot_general3A_25 = tpu.matmul %get3A_11, %get3A_23, %dot_general3A_24 {dimension_numbers = #tpu.dot_dimension_numbers<[1], [0], [0], [1], [0, 0, 1, 1], [], []>, transpose_lhs_hint = false} : vector<2000x3xf32>, vector<3x100xf32>, vector<2000x100xf32> -> vector<2000x100xf32>
    %get3A_26 = arith.constant 0 : index
    %get3A_27 = arith.constant 0 : index
    %get3A_28 = vector.load %arg8[%get3A_26, %get3A_27] : memref<1x100xf32, #tpu.memory_space<vmem>>, vector<1x100xf32>
    %add3A_29 = vector.broadcast %get3A_28 : vector<1x100xf32> to vector<2000x100xf32>
    %add3A_30 = arith.addf %dot_general3A_25, %add3A_29 : vector<2000x100xf32>
    %get3A_31 = arith.constant 0 : index
    %get3A_32 = arith.constant 0 : index
    %get3A_33 = vector.load %arg6[%get3A_31, %get3A_32] : memref<3x100xf32, #tpu.memory_space<vmem>>, vector<3x100xf32>
    %dot_general3A_34 = arith.constant dense<0.000000e+00> : vector<2000x100xf32>
    %dot_general3A_35 = tpu.matmul %get3A_11, %get3A_33, %dot_general3A_34 {dimension_numbers = #tpu.dot_dimension_numbers<[1], [0], [0], [1], [0, 0, 1, 1], [], []>, transpose_lhs_hint = false} : vector<2000x3xf32>, vector<3x100xf32>, vector<2000x100xf32> -> vector<2000x100xf32>
    %get3A_36 = arith.constant 0 : index
    %get3A_37 = arith.constant 0 : index
    %get3A_38 = vector.load %arg9[%get3A_36, %get3A_37] : memref<1x100xf32, #tpu.memory_space<vmem>>, vector<1x100xf32>
    %add3A_39 = vector.broadcast %get3A_38 : vector<1x100xf32> to vector<2000x100xf32>
    %add3A_40 = arith.addf %dot_general3A_35, %add3A_39 : vector<2000x100xf32>
    %get3A_41 = arith.constant 0 : index
    %get3A_42 = arith.constant 0 : index
    %get3A_43 = vector.load %arg10[%get3A_41, %get3A_42] : memref<128x100xf32, #tpu.memory_space<vmem>>, vector<128x100xf32>
    %dot_general3A_44 = arith.constant dense<0.000000e+00> : vector<2000x100xf32>
    %dot_general3A_45 = tpu.matmul %add3A, %get3A_43, %dot_general3A_44 {dimension_numbers = #tpu.dot_dimension_numbers<[1], [0], [0], [1], [0, 0, 1, 1], [], []>, transpose_lhs_hint = false} : vector<2000x128xf32>, vector<128x100xf32>, vector<2000x100xf32> -> vector<2000x100xf32>
    %get3A_46 = arith.constant 0 : index
    %get3A_47 = arith.constant 0 : index
    %get3A_48 = vector.load %arg13[%get3A_46, %get3A_47] : memref<1x100xf32, #tpu.memory_space<vmem>>, vector<1x100xf32>
    %add3A_49 = vector.broadcast %get3A_48 : vector<1x100xf32> to vector<2000x100xf32>
    %add3A_50 = arith.addf %dot_general3A_45, %add3A_49 : vector<2000x100xf32>
    %get3A_51 = arith.constant 0 : index
    %get3A_52 = arith.constant 0 : index
    %get3A_53 = vector.load %arg11[%get3A_51, %get3A_52] : memref<128x100xf32, #tpu.memory_space<vmem>>, vector<128x100xf32>
    %dot_general3A_54 = arith.constant dense<0.000000e+00> : vector<2000x100xf32>
    %dot_general3A_55 = tpu.matmul %add3A, %get3A_53, %dot_general3A_54 {dimension_numbers = #tpu.dot_dimension_numbers<[1], [0], [0], [1], [0, 0, 1, 1], [], []>, transpose_lhs_hint = false} : vector<2000x128xf32>, vector<128x100xf32>, vector<2000x100xf32> -> vector<2000x100xf32>
    %get3A_56 = arith.constant 0 : index
    %get3A_57 = arith.constant 0 : index
    %get3A_58 = vector.load %arg14[%get3A_56, %get3A_57] : memref<1x100xf32, #tpu.memory_space<vmem>>, vector<1x100xf32>
    %add3A_59 = vector.broadcast %get3A_58 : vector<1x100xf32> to vector<2000x100xf32>
    %add3A_60 = arith.addf %dot_general3A_55, %add3A_59 : vector<2000x100xf32>
    %get3A_61 = arith.constant 0 : index
    %get3A_62 = arith.constant 0 : index
    %get3A_63 = vector.load %arg12[%get3A_61, %get3A_62] : memref<128x100xf32, #tpu.memory_space<vmem>>, vector<128x100xf32>
    %dot_general3A_64 = arith.constant dense<0.000000e+00> : vector<2000x100xf32>
    %dot_general3A_65 = tpu.matmul %add3A, %get3A_63, %dot_general3A_64 {dimension_numbers = #tpu.dot_dimension_numbers<[1], [0], [0], [1], [0, 0, 1, 1], [], []>, transpose_lhs_hint = false} : vector<2000x128xf32>, vector<128x100xf32>, vector<2000x100xf32> -> vector<2000x100xf32>
    %get3A_66 = arith.constant 0 : index
    %get3A_67 = arith.constant 0 : index
    %get3A_68 = vector.load %arg15[%get3A_66, %get3A_67] : memref<1x100xf32, #tpu.memory_space<vmem>>, vector<1x100xf32>
    %add3A_69 = vector.broadcast %get3A_68 : vector<1x100xf32> to vector<2000x100xf32>
    %add3A_70 = arith.addf %dot_general3A_65, %add3A_69 : vector<2000x100xf32>
    %add3A_71 = arith.addf %add3A_20, %add3A_50 : vector<2000x100xf32>
    %logistic3A = arith.negf %add3A_71 : vector<2000x100xf32>
    %logistic3A_72 = math.exp %logistic3A : vector<2000x100xf32>
    %logistic3A_73 = arith.constant 1.000000e+00 : f32
    %logistic3A_74 = vector.broadcast %logistic3A_73 : f32 to vector<2000x100xf32>
    %logistic3A_75 = arith.addf %logistic3A_74, %logistic3A_72 : vector<2000x100xf32>
    %logistic3A_76 = arith.divf %logistic3A_74, %logistic3A_75 : vector<2000x100xf32>
    %add3A_77 = arith.addf %add3A_30, %add3A_60 : vector<2000x100xf32>
    %logistic3A_78 = arith.negf %add3A_77 : vector<2000x100xf32>
    %logistic3A_79 = math.exp %logistic3A_78 : vector<2000x100xf32>
    %logistic3A_80 = arith.constant 1.000000e+00 : f32
    %logistic3A_81 = vector.broadcast %logistic3A_80 : f32 to vector<2000x100xf32>
    %logistic3A_82 = arith.addf %logistic3A_81, %logistic3A_79 : vector<2000x100xf32>
    %logistic3A_83 = arith.divf %logistic3A_81, %logistic3A_82 : vector<2000x100xf32>
    %mul3A = arith.mulf %logistic3A_76, %add3A_70 : vector<2000x100xf32>
    %add3A_84 = arith.addf %add3A_40, %mul3A : vector<2000x100xf32>
    %tanh3A = math.tanh %add3A_84 : vector<2000x100xf32>
    %sub3A = arith.constant 1.000000e+00 : f32
    %sub3A_85 = vector.broadcast %sub3A : f32 to vector<2000x100xf32>
    %sub3A_86 = arith.subf %sub3A_85, %logistic3A_83 : vector<2000x100xf32>
    %mul3A_87 = arith.mulf %sub3A_86, %tanh3A : vector<2000x100xf32>
    %slice3A = vector.extract_strided_slice %add3A {offsets = [0, 0], sizes = [2000, 100], strides = [1, 1]} : vector<2000x128xf32> to vector<2000x100xf32>
    %mul3A_88 = arith.mulf %logistic3A_83, %slice3A : vector<2000x100xf32>
    %add3A_89 = arith.addf %mul3A_87, %mul3A_88 : vector<2000x100xf32>
    %get3A_90 = arith.constant 0 : index
    %get3A_91 = arith.constant 0 : index
    %get3A_92 = vector.load %arg16[%get3A_90, %get3A_91] : memref<100x100xf32, #tpu.memory_space<vmem>>, vector<100x100xf32>
    %dot_general3A_93 = arith.constant dense<0.000000e+00> : vector<2000x100xf32>
    %dot_general3A_94 = tpu.matmul %add3A_89, %get3A_92, %dot_general3A_93 {dimension_numbers = #tpu.dot_dimension_numbers<[1], [0], [0], [1], [0, 0, 1, 1], [], []>, transpose_lhs_hint = false} : vector<2000x100xf32>, vector<100x100xf32>, vector<2000x100xf32> -> vector<2000x100xf32>
    %get3A_95 = arith.constant 0 : index
    %get3A_96 = arith.constant 0 : index
    %get3A_97 = vector.load %arg17[%get3A_95, %get3A_96] : memref<1x100xf32, #tpu.memory_space<vmem>>, vector<1x100xf32>
    %add3A_98 = vector.broadcast %get3A_97 : vector<1x100xf32> to vector<2000x100xf32>
    %add3A_99 = arith.addf %dot_general3A_94, %add3A_98 : vector<2000x100xf32>
    %logistic3A_100 = arith.negf %add3A_99 : vector<2000x100xf32>
    %logistic3A_101 = math.exp %logistic3A_100 : vector<2000x100xf32>
    %logistic3A_102 = arith.constant 1.000000e+00 : f32
    %logistic3A_103 = vector.broadcast %logistic3A_102 : f32 to vector<2000x100xf32>
    %logistic3A_104 = arith.addf %logistic3A_103, %logistic3A_101 : vector<2000x100xf32>
    %logistic3A_105 = arith.divf %logistic3A_103, %logistic3A_104 : vector<2000x100xf32>
    %get3A_106 = arith.constant 0 : index
    %get3A_107 = arith.constant 0 : index
    %get3A_108 = vector.load %arg18[%get3A_106, %get3A_107] : memref<100x100xf32, #tpu.memory_space<vmem>>, vector<100x100xf32>
    %dot_general3A_109 = arith.constant dense<0.000000e+00> : vector<2000x100xf32>
    %dot_general3A_110 = tpu.matmul %add3A_89, %get3A_108, %dot_general3A_109 {dimension_numbers = #tpu.dot_dimension_numbers<[1], [0], [0], [1], [0, 0, 1, 1], [], []>, transpose_lhs_hint = false} : vector<2000x100xf32>, vector<100x100xf32>, vector<2000x100xf32> -> vector<2000x100xf32>
    %mul3A_111 = arith.mulf %logistic3A_105, %dot_general3A_110 : vector<2000x100xf32>
    %broadcast_in_dim3A = arith.constant 0.000000e+00 : f32
    %broadcast_in_dim3A_112 = vector.broadcast %broadcast_in_dim3A : f32 to vector<2000x28xf32>
    %concatenate3A = tpu.concatenate %mul3A_111, %broadcast_in_dim3A_112 in 1 : vector<2000x100xf32>, vector<2000x28xf32> -> vector<2000x128xf32>
    %swap3A = arith.constant 0 : index
    %swap3A_113 = arith.constant 0 : index
    %swap3A_114 = vector.load %arg21[%swap3A, %swap3A_113] : memref<2000x128xf32, #tpu.memory_space<vmem>>, vector<2000x128xf32>
    tpu.vector_store %arg21[%swap3A, %swap3A_113], %concatenate3A {strides = array<i32>} : memref<2000x128xf32, #tpu.memory_space<vmem>>, vector<2000x128xf32>,
    %get3A_115 = arith.constant 0 : index
    %get3A_116 = arith.constant 0 : index
    %get3A_117 = vector.load %arg19[%get3A_115, %get3A_116] : memref<100x3xf32, #tpu.memory_space<vmem>>, vector<100x3xf32>
    %dot_general3A_118 = arith.constant dense<0.000000e+00> : vector<2000x3xf32>
    %dot_general3A_119 = tpu.matmul %add3A_89, %get3A_117, %dot_general3A_118 {dimension_numbers = #tpu.dot_dimension_numbers<[1], [0], [0], [1], [0, 0, 1, 1], [], []>, transpose_lhs_hint = false} : vector<2000x100xf32>, vector<100x3xf32>, vector<2000x3xf32> -> vector<2000x3xf32>
    %get3A_120 = arith.constant 0 : index
    %get3A_121 = arith.constant 0 : index
    %get3A_122 = vector.load %arg20[%get3A_120, %get3A_121] : memref<1x3xf32, #tpu.memory_space<vmem>>, vector<1x3xf32>
    %add3A_123 = vector.broadcast %get3A_122 : vector<1x3xf32> to vector<2000x3xf32>
    %add3A_124 = arith.addf %dot_general3A_119, %add3A_123 : vector<2000x3xf32>
    %swap3A_125 = arith.constant 0 : index
    %swap3A_126 = arith.constant 0 : index
    %swap3A_127 = vector.load %arg22[%swap3A_125, %swap3A_126] : memref<2000x3xf32, #tpu.memory_space<vmem>>, vector<2000x3xf32>
    tpu.vector_store %arg22[%swap3A_125, %swap3A_126], %add3A_124 {strides = array<i32>} : memref<2000x3xf32, #tpu.memory_space<vmem>>, vector<2000x3xf32>,
    return
  }
  func.func @transform_0(%arg0: i32) -> (i32, i32) {
    %c0_i32 = arith.constant 0 : i32
    %c0_i32_0 = arith.constant 0 : i32
    return %arg0, %c0_i32 : i32, i32
  }
  func.func @transform_1(%arg0: i32) -> (i32, i32, i32) {
    %c0_i32 = arith.constant 0 : i32
    %c0_i32_0 = arith.constant 0 : i32
    %c0_i32_1 = arith.constant 0 : i32
    return %c0_i32, %arg0, %c0_i32_0 : i32, i32, i32
  }
  func.func @transform_2(%arg0: i32) -> (i32, i32, i32) {
    %c1_i32 = arith.constant 1 : i32
    %c0_i32 = arith.constant 0 : i32
    %c0_i32_0 = arith.constant 0 : i32
    return %c1_i32, %arg0, %c0_i32 : i32, i32, i32
  }
  func.func @transform_3(%arg0: i32) -> (i32, i32) {
    %c0_i32 = arith.constant 0 : i32
    %c0_i32_0 = arith.constant 0 : i32
    %c0_i32_1 = arith.constant 0 : i32
    return %c0_i32, %c0_i32_0 : i32, i32
  }
  func.func @transform_4(%arg0: i32) -> (i32, i32) {
    %c0_i32 = arith.constant 0 : i32
    %c0_i32_0 = arith.constant 0 : i32
    %c0_i32_1 = arith.constant 0 : i32
    return %c0_i32, %c0_i32_0 : i32, i32
  }
  func.func @transform_5(%arg0: i32) -> (i32, i32) {
    %c0_i32 = arith.constant 0 : i32
    %c0_i32_0 = arith.constant 0 : i32
    %c0_i32_1 = arith.constant 0 : i32
    return %c0_i32, %c0_i32_0 : i32, i32
  }
  func.func @transform_6(%arg0: i32) -> (i32, i32) {
    %c0_i32 = arith.constant 0 : i32
    %c0_i32_0 = arith.constant 0 : i32
    %c0_i32_1 = arith.constant 0 : i32
    return %c0_i32, %c0_i32_0 : i32, i32
  }
  func.func @transform_7(%arg0: i32) -> (i32, i32) {
    %c0_i32 = arith.constant 0 : i32
    %c0_i32_0 = arith.constant 0 : i32
    %c0_i32_1 = arith.constant 0 : i32
    return %c0_i32, %c0_i32_0 : i32, i32
  }
  func.func @transform_8(%arg0: i32) -> (i32, i32) {
    %c0_i32 = arith.constant 0 : i32
    %c0_i32_0 = arith.constant 0 : i32
    %c0_i32_1 = arith.constant 0 : i32
    return %c0_i32, %c0_i32_0 : i32, i32
  }
  func.func @transform_9(%arg0: i32) -> (i32, i32) {
    %c0_i32 = arith.constant 0 : i32
    %c0_i32_0 = arith.constant 0 : i32
    %c0_i32_1 = arith.constant 0 : i32
    return %c0_i32, %c0_i32_0 : i32, i32
  }
  func.func @transform_10(%arg0: i32) -> (i32, i32) {
    %c0_i32 = arith.constant 0 : i32
    %c0_i32_0 = arith.constant 0 : i32
    %c0_i32_1 = arith.constant 0 : i32
    return %c0_i32, %c0_i32_0 : i32, i32
  }
  func.func @transform_11(%arg0: i32) -> (i32, i32) {
    %c0_i32 = arith.constant 0 : i32
    %c0_i32_0 = arith.constant 0 : i32
    %c0_i32_1 = arith.constant 0 : i32
    return %c0_i32, %c0_i32_0 : i32, i32
  }
  func.func @transform_12(%arg0: i32) -> (i32, i32) {
    %c0_i32 = arith.constant 0 : i32
    %c0_i32_0 = arith.constant 0 : i32
    %c0_i32_1 = arith.constant 0 : i32
    return %c0_i32, %c0_i32_0 : i32, i32
  }
  func.func @transform_13(%arg0: i32) -> (i32, i32) {
    %c0_i32 = arith.constant 0 : i32
    %c0_i32_0 = arith.constant 0 : i32
    %c0_i32_1 = arith.constant 0 : i32
    return %c0_i32, %c0_i32_0 : i32, i32
  }
  func.func @transform_14(%arg0: i32) -> (i32, i32) {
    %c0_i32 = arith.constant 0 : i32
    %c0_i32_0 = arith.constant 0 : i32
    %c0_i32_1 = arith.constant 0 : i32
    return %c0_i32, %c0_i32_0 : i32, i32
  }
  func.func @transform_15(%arg0: i32) -> (i32, i32) {
    %c0_i32 = arith.constant 0 : i32
    %c0_i32_0 = arith.constant 0 : i32
    %c0_i32_1 = arith.constant 0 : i32
    return %c0_i32, %c0_i32_0 : i32, i32
  }
  func.func @transform_16(%arg0: i32) -> (i32, i32) {
    %c0_i32 = arith.constant 0 : i32
    %c0_i32_0 = arith.constant 0 : i32
    %c0_i32_1 = arith.constant 0 : i32
    return %c0_i32, %c0_i32_0 : i32, i32
  }
  func.func @transform_17(%arg0: i32) -> (i32, i32) {
    %c0_i32 = arith.constant 0 : i32
    %c0_i32_0 = arith.constant 0 : i32
    %c0_i32_1 = arith.constant 0 : i32
    return %c0_i32, %c0_i32_0 : i32, i32
  }
  func.func @transform_18(%arg0: i32) -> (i32, i32) {
    %c0_i32 = arith.constant 0 : i32
    %c0_i32_0 = arith.constant 0 : i32
    %c0_i32_1 = arith.constant 0 : i32
    return %c0_i32, %c0_i32_0 : i32, i32
  }
  func.func @transform_19(%arg0: i32) -> (i32, i32) {
    %c0_i32 = arith.constant 0 : i32
    %c0_i32_0 = arith.constant 0 : i32
    %c0_i32_1 = arith.constant 0 : i32
    return %c0_i32, %c0_i32_0 : i32, i32
  }
  func.func @transform_20(%arg0: i32) -> (i32, i32) {
    %c0_i32 = arith.constant 0 : i32
    %c0_i32_0 = arith.constant 0 : i32
    return %arg0, %c0_i32 : i32, i32
  }
  func.func @transform_21(%arg0: i32) -> (i32, i32) {
    %c0_i32 = arith.constant 0 : i32
    %c0_i32_0 = arith.constant 0 : i32
    return %arg0, %c0_i32 : i32, i32
  }
}

module attributes {stable_mosaic.version = 14 : i64} {
  func.func @_tc_final_body(%arg0: i32, %arg1: memref<2000x3xf32, #tpu.memory_space<vmem>>, %arg2: memref<1x2000x128xf32, #tpu.memory_space<vmem>>, %arg3: memref<1x2000x128xf32, #tpu.memory_space<vmem>>, %arg4: memref<3x100xf32, #tpu.memory_space<vmem>>, %arg5: memref<3x100xf32, #tpu.memory_space<vmem>>, %arg6: memref<3x100xf32, #tpu.memory_space<vmem>>, %arg7: memref<1x100xf32, #tpu.memory_space<vmem>>, %arg8: memref<1x100xf32, #tpu.memory_space<vmem>>, %arg9: memref<1x100xf32, #tpu.memory_space<vmem>>, %arg10: memref<128x100xf32, #tpu.memory_space<vmem>>, %arg11: memref<128x100xf32, #tpu.memory_space<vmem>>, %arg12: memref<128x100xf32, #tpu.memory_space<vmem>>, %arg13: memref<1x100xf32, #tpu.memory_space<vmem>>, %arg14: memref<1x100xf32, #tpu.memory_space<vmem>>, %arg15: memref<1x100xf32, #tpu.memory_space<vmem>>, %arg16: memref<100x30xf32, #tpu.memory_space<vmem>>, %arg17: memref<1x30xf32, #tpu.memory_space<vmem>>, %arg18: memref<30x1xf32, #tpu.memory_space<vmem>>, %arg19: memref<1x1xf32, #tpu.memory_space<vmem>>, %arg20: memref<2000x1xf32, #tpu.memory_space<vmem>>) attributes {dimension_semantics = [#tpu.dimension_semantics<arbitrary>], iteration_bounds = array<i64: 5>, scalar_prefetch = 0 : i64, scratch_operands = 0 : i64, tpu.core_type = #tpu.core_type<tc>, window_params = [{transform_indices = @transform_0, window_bounds = array<i64: 2000, 3>}, {transform_indices = @transform_1, window_bounds = array<i64: 1, 2000, 128>}, {transform_indices = @transform_2, window_bounds = array<i64: 1, 2000, 128>}, {pipeline_mode = #tpu.pipeline_mode<synchronous>, transform_indices = @transform_3, window_bounds = array<i64: 3, 100>}, {pipeline_mode = #tpu.pipeline_mode<synchronous>, transform_indices = @transform_4, window_bounds = array<i64: 3, 100>}, {pipeline_mode = #tpu.pipeline_mode<synchronous>, transform_indices = @transform_5, window_bounds = array<i64: 3, 100>}, {pipeline_mode = #tpu.pipeline_mode<synchronous>, transform_indices = @transform_6, window_bounds = array<i64: 1, 100>}, {pipeline_mode = #tpu.pipeline_mode<synchronous>, transform_indices = @transform_7, window_bounds = array<i64: 1, 100>}, {pipeline_mode = #tpu.pipeline_mode<synchronous>, transform_indices = @transform_8, window_bounds = array<i64: 1, 100>}, {pipeline_mode = #tpu.pipeline_mode<synchronous>, transform_indices = @transform_9, window_bounds = array<i64: 128, 100>}, {pipeline_mode = #tpu.pipeline_mode<synchronous>, transform_indices = @transform_10, window_bounds = array<i64: 128, 100>}, {pipeline_mode = #tpu.pipeline_mode<synchronous>, transform_indices = @transform_11, window_bounds = array<i64: 128, 100>}, {pipeline_mode = #tpu.pipeline_mode<synchronous>, transform_indices = @transform_12, window_bounds = array<i64: 1, 100>}, {pipeline_mode = #tpu.pipeline_mode<synchronous>, transform_indices = @transform_13, window_bounds = array<i64: 1, 100>}, {pipeline_mode = #tpu.pipeline_mode<synchronous>, transform_indices = @transform_14, window_bounds = array<i64: 1, 100>}, {pipeline_mode = #tpu.pipeline_mode<synchronous>, transform_indices = @transform_15, window_bounds = array<i64: 100, 30>}, {pipeline_mode = #tpu.pipeline_mode<synchronous>, transform_indices = @transform_16, window_bounds = array<i64: 1, 30>}, {pipeline_mode = #tpu.pipeline_mode<synchronous>, transform_indices = @transform_17, window_bounds = array<i64: 30, 1>}, {pipeline_mode = #tpu.pipeline_mode<synchronous>, transform_indices = @transform_18, window_bounds = array<i64: 1, 1>}, {transform_indices = @transform_19, window_bounds = array<i64: 2000, 1>}]} {
    %get3A = arith.constant 0 : index
    %get3A_0 = arith.constant 0 : index
    %get3A_1 = arith.constant 0 : index
    %get3A_2 = vector.load %arg2[%get3A, %get3A_0, %get3A_1] : memref<1x2000x128xf32, #tpu.memory_space<vmem>>, vector<1x2000x128xf32>
    %get3A_3 = vector.shape_cast %get3A_2 : vector<1x2000x128xf32> to vector<2000x128xf32>
    %get3A_4 = arith.constant 0 : index
    %get3A_5 = arith.constant 0 : index
    %get3A_6 = arith.constant 0 : index
    %get3A_7 = vector.load %arg3[%get3A_4, %get3A_5, %get3A_6] : memref<1x2000x128xf32, #tpu.memory_space<vmem>>, vector<1x2000x128xf32>
    %get3A_8 = vector.shape_cast %get3A_7 : vector<1x2000x128xf32> to vector<2000x128xf32>
    %add3A = arith.addf %get3A_3, %get3A_8 : vector<2000x128xf32>
    %get3A_9 = arith.constant 0 : index
    %get3A_10 = arith.constant 0 : index
    %get3A_11 = vector.load %arg1[%get3A_9, %get3A_10] : memref<2000x3xf32, #tpu.memory_space<vmem>>, vector<2000x3xf32>
    %get3A_12 = arith.constant 0 : index
    %get3A_13 = arith.constant 0 : index
    %get3A_14 = vector.load %arg4[%get3A_12, %get3A_13] : memref<3x100xf32, #tpu.memory_space<vmem>>, vector<3x100xf32>
    %dot_general3A = arith.constant dense<0.000000e+00> : vector<2000x100xf32>
    %dot_general3A_15 = tpu.matmul %get3A_11, %get3A_14, %dot_general3A {dimension_numbers = #tpu.dot_dimension_numbers<[1], [0], [0], [1], [0, 0, 1, 1], [], []>, transpose_lhs_hint = false} : vector<2000x3xf32>, vector<3x100xf32>, vector<2000x100xf32> -> vector<2000x100xf32>
    %get3A_16 = arith.constant 0 : index
    %get3A_17 = arith.constant 0 : index
    %get3A_18 = vector.load %arg7[%get3A_16, %get3A_17] : memref<1x100xf32, #tpu.memory_space<vmem>>, vector<1x100xf32>
    %add3A_19 = vector.broadcast %get3A_18 : vector<1x100xf32> to vector<2000x100xf32>
    %add3A_20 = arith.addf %dot_general3A_15, %add3A_19 : vector<2000x100xf32>
    %get3A_21 = arith.constant 0 : index
    %get3A_22 = arith.constant 0 : index
    %get3A_23 = vector.load %arg5[%get3A_21, %get3A_22] : memref<3x100xf32, #tpu.memory_space<vmem>>, vector<3x100xf32>
    %dot_general3A_24 = arith.constant dense<0.000000e+00> : vector<2000x100xf32>
    %dot_general3A_25 = tpu.matmul %get3A_11, %get3A_23, %dot_general3A_24 {dimension_numbers = #tpu.dot_dimension_numbers<[1], [0], [0], [1], [0, 0, 1, 1], [], []>, transpose_lhs_hint = false} : vector<2000x3xf32>, vector<3x100xf32>, vector<2000x100xf32> -> vector<2000x100xf32>
    %get3A_26 = arith.constant 0 : index
    %get3A_27 = arith.constant 0 : index
    %get3A_28 = vector.load %arg8[%get3A_26, %get3A_27] : memref<1x100xf32, #tpu.memory_space<vmem>>, vector<1x100xf32>
    %add3A_29 = vector.broadcast %get3A_28 : vector<1x100xf32> to vector<2000x100xf32>
    %add3A_30 = arith.addf %dot_general3A_25, %add3A_29 : vector<2000x100xf32>
    %get3A_31 = arith.constant 0 : index
    %get3A_32 = arith.constant 0 : index
    %get3A_33 = vector.load %arg6[%get3A_31, %get3A_32] : memref<3x100xf32, #tpu.memory_space<vmem>>, vector<3x100xf32>
    %dot_general3A_34 = arith.constant dense<0.000000e+00> : vector<2000x100xf32>
    %dot_general3A_35 = tpu.matmul %get3A_11, %get3A_33, %dot_general3A_34 {dimension_numbers = #tpu.dot_dimension_numbers<[1], [0], [0], [1], [0, 0, 1, 1], [], []>, transpose_lhs_hint = false} : vector<2000x3xf32>, vector<3x100xf32>, vector<2000x100xf32> -> vector<2000x100xf32>
    %get3A_36 = arith.constant 0 : index
    %get3A_37 = arith.constant 0 : index
    %get3A_38 = vector.load %arg9[%get3A_36, %get3A_37] : memref<1x100xf32, #tpu.memory_space<vmem>>, vector<1x100xf32>
    %add3A_39 = vector.broadcast %get3A_38 : vector<1x100xf32> to vector<2000x100xf32>
    %add3A_40 = arith.addf %dot_general3A_35, %add3A_39 : vector<2000x100xf32>
    %get3A_41 = arith.constant 0 : index
    %get3A_42 = arith.constant 0 : index
    %get3A_43 = vector.load %arg10[%get3A_41, %get3A_42] : memref<128x100xf32, #tpu.memory_space<vmem>>, vector<128x100xf32>
    %dot_general3A_44 = arith.constant dense<0.000000e+00> : vector<2000x100xf32>
    %dot_general3A_45 = tpu.matmul %add3A, %get3A_43, %dot_general3A_44 {dimension_numbers = #tpu.dot_dimension_numbers<[1], [0], [0], [1], [0, 0, 1, 1], [], []>, transpose_lhs_hint = false} : vector<2000x128xf32>, vector<128x100xf32>, vector<2000x100xf32> -> vector<2000x100xf32>
    %get3A_46 = arith.constant 0 : index
    %get3A_47 = arith.constant 0 : index
    %get3A_48 = vector.load %arg13[%get3A_46, %get3A_47] : memref<1x100xf32, #tpu.memory_space<vmem>>, vector<1x100xf32>
    %add3A_49 = vector.broadcast %get3A_48 : vector<1x100xf32> to vector<2000x100xf32>
    %add3A_50 = arith.addf %dot_general3A_45, %add3A_49 : vector<2000x100xf32>
    %get3A_51 = arith.constant 0 : index
    %get3A_52 = arith.constant 0 : index
    %get3A_53 = vector.load %arg11[%get3A_51, %get3A_52] : memref<128x100xf32, #tpu.memory_space<vmem>>, vector<128x100xf32>
    %dot_general3A_54 = arith.constant dense<0.000000e+00> : vector<2000x100xf32>
    %dot_general3A_55 = tpu.matmul %add3A, %get3A_53, %dot_general3A_54 {dimension_numbers = #tpu.dot_dimension_numbers<[1], [0], [0], [1], [0, 0, 1, 1], [], []>, transpose_lhs_hint = false} : vector<2000x128xf32>, vector<128x100xf32>, vector<2000x100xf32> -> vector<2000x100xf32>
    %get3A_56 = arith.constant 0 : index
    %get3A_57 = arith.constant 0 : index
    %get3A_58 = vector.load %arg14[%get3A_56, %get3A_57] : memref<1x100xf32, #tpu.memory_space<vmem>>, vector<1x100xf32>
    %add3A_59 = vector.broadcast %get3A_58 : vector<1x100xf32> to vector<2000x100xf32>
    %add3A_60 = arith.addf %dot_general3A_55, %add3A_59 : vector<2000x100xf32>
    %get3A_61 = arith.constant 0 : index
    %get3A_62 = arith.constant 0 : index
    %get3A_63 = vector.load %arg12[%get3A_61, %get3A_62] : memref<128x100xf32, #tpu.memory_space<vmem>>, vector<128x100xf32>
    %dot_general3A_64 = arith.constant dense<0.000000e+00> : vector<2000x100xf32>
    %dot_general3A_65 = tpu.matmul %add3A, %get3A_63, %dot_general3A_64 {dimension_numbers = #tpu.dot_dimension_numbers<[1], [0], [0], [1], [0, 0, 1, 1], [], []>, transpose_lhs_hint = false} : vector<2000x128xf32>, vector<128x100xf32>, vector<2000x100xf32> -> vector<2000x100xf32>
    %get3A_66 = arith.constant 0 : index
    %get3A_67 = arith.constant 0 : index
    %get3A_68 = vector.load %arg15[%get3A_66, %get3A_67] : memref<1x100xf32, #tpu.memory_space<vmem>>, vector<1x100xf32>
    %add3A_69 = vector.broadcast %get3A_68 : vector<1x100xf32> to vector<2000x100xf32>
    %add3A_70 = arith.addf %dot_general3A_65, %add3A_69 : vector<2000x100xf32>
    %add3A_71 = arith.addf %add3A_20, %add3A_50 : vector<2000x100xf32>
    %logistic3A = arith.negf %add3A_71 : vector<2000x100xf32>
    %logistic3A_72 = math.exp %logistic3A : vector<2000x100xf32>
    %logistic3A_73 = arith.constant 1.000000e+00 : f32
    %logistic3A_74 = vector.broadcast %logistic3A_73 : f32 to vector<2000x100xf32>
    %logistic3A_75 = arith.addf %logistic3A_74, %logistic3A_72 : vector<2000x100xf32>
    %logistic3A_76 = arith.divf %logistic3A_74, %logistic3A_75 : vector<2000x100xf32>
    %add3A_77 = arith.addf %add3A_30, %add3A_60 : vector<2000x100xf32>
    %logistic3A_78 = arith.negf %add3A_77 : vector<2000x100xf32>
    %logistic3A_79 = math.exp %logistic3A_78 : vector<2000x100xf32>
    %logistic3A_80 = arith.constant 1.000000e+00 : f32
    %logistic3A_81 = vector.broadcast %logistic3A_80 : f32 to vector<2000x100xf32>
    %logistic3A_82 = arith.addf %logistic3A_81, %logistic3A_79 : vector<2000x100xf32>
    %logistic3A_83 = arith.divf %logistic3A_81, %logistic3A_82 : vector<2000x100xf32>
    %mul3A = arith.mulf %logistic3A_76, %add3A_70 : vector<2000x100xf32>
    %add3A_84 = arith.addf %add3A_40, %mul3A : vector<2000x100xf32>
    %tanh3A = math.tanh %add3A_84 : vector<2000x100xf32>
    %sub3A = arith.constant 1.000000e+00 : f32
    %sub3A_85 = vector.broadcast %sub3A : f32 to vector<2000x100xf32>
    %sub3A_86 = arith.subf %sub3A_85, %logistic3A_83 : vector<2000x100xf32>
    %mul3A_87 = arith.mulf %sub3A_86, %tanh3A : vector<2000x100xf32>
    %slice3A = vector.extract_strided_slice %add3A {offsets = [0, 0], sizes = [2000, 100], strides = [1, 1]} : vector<2000x128xf32> to vector<2000x100xf32>
    %mul3A_88 = arith.mulf %logistic3A_83, %slice3A : vector<2000x100xf32>
    %add3A_89 = arith.addf %mul3A_87, %mul3A_88 : vector<2000x100xf32>
    %get3A_90 = arith.constant 0 : index
    %get3A_91 = arith.constant 0 : index
    %get3A_92 = vector.load %arg16[%get3A_90, %get3A_91] : memref<100x30xf32, #tpu.memory_space<vmem>>, vector<100x30xf32>
    %dot_general3A_93 = arith.constant dense<0.000000e+00> : vector<2000x30xf32>
    %dot_general3A_94 = tpu.matmul %add3A_89, %get3A_92, %dot_general3A_93 {dimension_numbers = #tpu.dot_dimension_numbers<[1], [0], [0], [1], [0, 0, 1, 1], [], []>, transpose_lhs_hint = false} : vector<2000x100xf32>, vector<100x30xf32>, vector<2000x30xf32> -> vector<2000x30xf32>
    %get3A_95 = arith.constant 0 : index
    %get3A_96 = arith.constant 0 : index
    %get3A_97 = vector.load %arg17[%get3A_95, %get3A_96] : memref<1x30xf32, #tpu.memory_space<vmem>>, vector<1x30xf32>
    %add3A_98 = vector.broadcast %get3A_97 : vector<1x30xf32> to vector<2000x30xf32>
    %add3A_99 = arith.addf %dot_general3A_94, %add3A_98 : vector<2000x30xf32>
    %max3A = arith.constant 0.000000e+00 : f32
    %max3A_100 = vector.broadcast %max3A : f32 to vector<2000x30xf32>
    %max3A_101 = arith.maximumf %add3A_99, %max3A_100 : vector<2000x30xf32>
    %get3A_102 = arith.constant 0 : index
    %get3A_103 = arith.constant 0 : index
    %get3A_104 = vector.load %arg18[%get3A_102, %get3A_103] : memref<30x1xf32, #tpu.memory_space<vmem>>, vector<30x1xf32>
    %dot_general3A_105 = arith.constant dense<0.000000e+00> : vector<2000x1xf32>
    %dot_general3A_106 = tpu.matmul %max3A_101, %get3A_104, %dot_general3A_105 {dimension_numbers = #tpu.dot_dimension_numbers<[1], [0], [0], [1], [0, 0, 1, 1], [], []>, transpose_lhs_hint = false} : vector<2000x30xf32>, vector<30x1xf32>, vector<2000x1xf32> -> vector<2000x1xf32>
    %get3A_107 = arith.constant 0 : index
    %get3A_108 = arith.constant 0 : index
    %get3A_109 = vector.load %arg19[%get3A_107, %get3A_108] : memref<1x1xf32, #tpu.memory_space<vmem>>, vector<1x1xf32>
    %add3A_110 = vector.broadcast %get3A_109 : vector<1x1xf32> to vector<2000x1xf32>
    %add3A_111 = arith.addf %dot_general3A_106, %add3A_110 : vector<2000x1xf32>
    %logistic3A_112 = arith.negf %add3A_111 : vector<2000x1xf32>
    %logistic3A_113 = math.exp %logistic3A_112 : vector<2000x1xf32>
    %logistic3A_114 = arith.constant 1.000000e+00 : f32
    %logistic3A_115 = vector.broadcast %logistic3A_114 : f32 to vector<2000x1xf32>
    %logistic3A_116 = arith.addf %logistic3A_115, %logistic3A_113 : vector<2000x1xf32>
    %logistic3A_117 = arith.divf %logistic3A_115, %logistic3A_116 : vector<2000x1xf32>
    %swap3A = arith.constant 0 : index
    %swap3A_118 = arith.constant 0 : index
    %swap3A_119 = vector.load %arg20[%swap3A, %swap3A_118] : memref<2000x1xf32, #tpu.memory_space<vmem>>, vector<2000x1xf32>
    tpu.vector_store %arg20[%swap3A, %swap3A_118], %logistic3A_117 {strides = array<i32>} : memref<2000x1xf32, #tpu.memory_space<vmem>>, vector<2000x1xf32>,
    return
  }
  func.func @transform_0(%arg0: i32) -> (i32, i32) {
    %c0_i32 = arith.constant 0 : i32
    %c0_i32_0 = arith.constant 0 : i32
    return %arg0, %c0_i32 : i32, i32
  }
  func.func @transform_1(%arg0: i32) -> (i32, i32, i32) {
    %c0_i32 = arith.constant 0 : i32
    %c0_i32_0 = arith.constant 0 : i32
    %c0_i32_1 = arith.constant 0 : i32
    return %c0_i32, %arg0, %c0_i32_0 : i32, i32, i32
  }
  func.func @transform_2(%arg0: i32) -> (i32, i32, i32) {
    %c1_i32 = arith.constant 1 : i32
    %c0_i32 = arith.constant 0 : i32
    %c0_i32_0 = arith.constant 0 : i32
    return %c1_i32, %arg0, %c0_i32 : i32, i32, i32
  }
  func.func @transform_3(%arg0: i32) -> (i32, i32) {
    %c0_i32 = arith.constant 0 : i32
    %c0_i32_0 = arith.constant 0 : i32
    %c0_i32_1 = arith.constant 0 : i32
    return %c0_i32, %c0_i32_0 : i32, i32
  }
  func.func @transform_4(%arg0: i32) -> (i32, i32) {
    %c0_i32 = arith.constant 0 : i32
    %c0_i32_0 = arith.constant 0 : i32
    %c0_i32_1 = arith.constant 0 : i32
    return %c0_i32, %c0_i32_0 : i32, i32
  }
  func.func @transform_5(%arg0: i32) -> (i32, i32) {
    %c0_i32 = arith.constant 0 : i32
    %c0_i32_0 = arith.constant 0 : i32
    %c0_i32_1 = arith.constant 0 : i32
    return %c0_i32, %c0_i32_0 : i32, i32
  }
  func.func @transform_6(%arg0: i32) -> (i32, i32) {
    %c0_i32 = arith.constant 0 : i32
    %c0_i32_0 = arith.constant 0 : i32
    %c0_i32_1 = arith.constant 0 : i32
    return %c0_i32, %c0_i32_0 : i32, i32
  }
  func.func @transform_7(%arg0: i32) -> (i32, i32) {
    %c0_i32 = arith.constant 0 : i32
    %c0_i32_0 = arith.constant 0 : i32
    %c0_i32_1 = arith.constant 0 : i32
    return %c0_i32, %c0_i32_0 : i32, i32
  }
  func.func @transform_8(%arg0: i32) -> (i32, i32) {
    %c0_i32 = arith.constant 0 : i32
    %c0_i32_0 = arith.constant 0 : i32
    %c0_i32_1 = arith.constant 0 : i32
    return %c0_i32, %c0_i32_0 : i32, i32
  }
  func.func @transform_9(%arg0: i32) -> (i32, i32) {
    %c0_i32 = arith.constant 0 : i32
    %c0_i32_0 = arith.constant 0 : i32
    %c0_i32_1 = arith.constant 0 : i32
    return %c0_i32, %c0_i32_0 : i32, i32
  }
  func.func @transform_10(%arg0: i32) -> (i32, i32) {
    %c0_i32 = arith.constant 0 : i32
    %c0_i32_0 = arith.constant 0 : i32
    %c0_i32_1 = arith.constant 0 : i32
    return %c0_i32, %c0_i32_0 : i32, i32
  }
  func.func @transform_11(%arg0: i32) -> (i32, i32) {
    %c0_i32 = arith.constant 0 : i32
    %c0_i32_0 = arith.constant 0 : i32
    %c0_i32_1 = arith.constant 0 : i32
    return %c0_i32, %c0_i32_0 : i32, i32
  }
  func.func @transform_12(%arg0: i32) -> (i32, i32) {
    %c0_i32 = arith.constant 0 : i32
    %c0_i32_0 = arith.constant 0 : i32
    %c0_i32_1 = arith.constant 0 : i32
    return %c0_i32, %c0_i32_0 : i32, i32
  }
  func.func @transform_13(%arg0: i32) -> (i32, i32) {
    %c0_i32 = arith.constant 0 : i32
    %c0_i32_0 = arith.constant 0 : i32
    %c0_i32_1 = arith.constant 0 : i32
    return %c0_i32, %c0_i32_0 : i32, i32
  }
  func.func @transform_14(%arg0: i32) -> (i32, i32) {
    %c0_i32 = arith.constant 0 : i32
    %c0_i32_0 = arith.constant 0 : i32
    %c0_i32_1 = arith.constant 0 : i32
    return %c0_i32, %c0_i32_0 : i32, i32
  }
  func.func @transform_15(%arg0: i32) -> (i32, i32) {
    %c0_i32 = arith.constant 0 : i32
    %c0_i32_0 = arith.constant 0 : i32
    %c0_i32_1 = arith.constant 0 : i32
    return %c0_i32, %c0_i32_0 : i32, i32
  }
  func.func @transform_16(%arg0: i32) -> (i32, i32) {
    %c0_i32 = arith.constant 0 : i32
    %c0_i32_0 = arith.constant 0 : i32
    %c0_i32_1 = arith.constant 0 : i32
    return %c0_i32, %c0_i32_0 : i32, i32
  }
  func.func @transform_17(%arg0: i32) -> (i32, i32) {
    %c0_i32 = arith.constant 0 : i32
    %c0_i32_0 = arith.constant 0 : i32
    %c0_i32_1 = arith.constant 0 : i32
    return %c0_i32, %c0_i32_0 : i32, i32
  }
  func.func @transform_18(%arg0: i32) -> (i32, i32) {
    %c0_i32 = arith.constant 0 : i32
    %c0_i32_0 = arith.constant 0 : i32
    %c0_i32_1 = arith.constant 0 : i32
    return %c0_i32, %c0_i32_0 : i32, i32
  }
  func.func @transform_19(%arg0: i32) -> (i32, i32) {
    %c0_i32 = arith.constant 0 : i32
    %c0_i32_0 = arith.constant 0 : i32
    return %arg0, %c0_i32 : i32, i32
  }
}

</mosaic_0001>

<sc_bundles>
// kernel: kernel.10.cloned.1.call-start
scs
__scs_entry_jumppad:
0x0: {  	(pc) =	sbr.rel $0x88, $3  }
0x1: {  	(tag) =	ssettag $0x0;
	lr =	simm.s32 $0x1  }
0x2: {  	[smem:$0x3F92] =	sst lr;
	_ =	strace $0xD0000000  }
0x3: {  	_ = 	snop  }
0x4: {  	_ = 	snop  }
0x5: {  	_ = 	snop  }
0x6: {  	_ = 	snop  }
0x7: {  	_ = 	snop  }
__scs_overlays_trampoline_lowered:
0x8: {  	[smem:$0x3FA1] =	sst s0  }
0x9: {  	[smem:$0x3FA2] =	sst s1  }
0xa: {  	[smem:$0x3FA3] =	sst s2  }
0xb: {  	[smem:$0x3FA4] =	sst s3  }
0xc: {  	[smem:$0x3FA5] =	sst s4  }
0xd: {  	[smem:$0x3FA6] =	sst s5  }
0xe: {  	[smem:$0x3FA7] =	sst s6  }
0xf: {  	[smem:$0x3FA8] =	sst s7  }
0x10: {  	[smem:$0x3FA9] =	sst s8  }
0x11: {  	[smem:$0x3FAA] =	sst s9;
	s0 =	simm.s32 @!p0 $0x0  }
0x12: {  	s1 =	sld [smem:$0x3F90];
	s0 =	simm.s32 @p0 $0x1  }
0x13: {  	[smem:$0x3FAB] =	sst s0;
	s0 =	simm.s32 @!p1 $0x0  }
0x14: {  	s2 =	sld [smem:$0x3F8F];
	s0 =	simm.s32 @p1 $0x1  }
0x15: {  	[smem:$0x3FAC] =	sst s0;
	s0 =	simm.s32 @!p2 $0x0  }
0x16: {  	s3 =	sld [smem:$0x3FDB];
	s0 =	simm.s32 @p2 $0x1  }
0x17: {  	s4 =	simm.s32 $0x1BF5;
	[smem:$0x3FAE] =	sst s0  }
0x18: {  	s0 =	sld [smem:$0x3F91];
	_ =	swait.ge [sflag:s4], $0x0  }
0x19: {  	s7 =	sld [smem:$0x3F92]  }
0x1a: {  	s8 =	sadd.s32 $0xFFFFE003, lr  }
0x1b: {  	s9 =	sadd.s32 $0xFFFFFEF7, lr;
	s5 =	simm.s32 $0xFFFFFFFF;
	p2 =	slt.u32 s8, $0xFFFFF086  }
0x1c: {  	p1 =	slt.u32 s9, $0xF7A;
	s5 =	simm.s32 @!p2 $0x0  }
0x1d: {  	s5 =	simm.s32 @p1 $0x1;
	p0 =	seq.s32 s7, s2  }
0x1e: {  	s7 =	smul.u32 @!p0 $0xF7A, s2;
	p2 =	seq.s32 @!p0 s5, $0x0  }
0x1f: {  	s9 =	smul.u32 $0xF7A, s1;
	s8 =	simm.s32 @!p0 $0x1BF5;
	p2 =	por !p2, p0  }
0x20: {  	[sflag:s8] =	ssyncset.s32 @!p0 $0xFFFFF086;
	s6 =	sadd.s32 @!p0 s3, s7;
	s7 =	simm.s32 @!p0 $0x108  }
0x21: {  	s3 =	sadd.s32 s3, s9;
	s6 =	sadd.s32 @!p0 $0x88, s6;
	s7 =	simm.s32 @p2 $0x1082  }
0x22: {  	[simem:s7], [sflag:s8] =	dma.local @!p0 [hbm:s6], $0xF7A  }
0x23: {  	s9 =	sor.u32 $0xD0000000, s2;
	s6 =	simm.s32 $0x108;
	_ =	swait.ge @!p0 [sflag:s8], $0x0  }
0x24: {  	s3 =	sadd.s32 $0x88, s3;
	s6 =	simm.s32 @!p1 $0x1082;
	[sflag:s4] =	ssyncset.s32 $0xFFFFF086  }
0x25: {  	[simem:s6], [sflag:s4] =	dma.local [hbm:s3], $0xF7A  }
0x26: {  	[smem:$0x3F92] =	sst s1;
	(tag) =	ssettag s2;
	_ =	strace s9  }
0x27: {  	s1 =	sld [smem:$0x3FA2]  }
0x28: {  	s2 =	sld [smem:$0x3FA3]  }
0x29: {  	s4 =	sld [smem:$0x3FA5]  }
0x2a: {  	p0 =	seq.s32 s5, $0x0;
	s5 =	sld [smem:$0x3FA6]  }
0x2b: {  	s6 =	sld [smem:$0x3FA7]  }
0x2c: {  	s7 =	sld [smem:$0x3FA8]  }
0x2d: {  	s3 =	simm.s32 $0x108;
	s8 =	sld [smem:$0x3FA9]  }
0x2e: {  	s3 =	simm.s32 @!p0 $0x1082;
	s9 =	sld [smem:$0x3FAA]  }
0x2f: {  	lr =	sadd.s32 s0, s3;
	s0 =	sld [smem:$0x3FA1]  }
0x30: {  	s3 =	sld [smem:$0x3FA4]  }
0x31: {  	[smem:$0x3FAD] =	sst s10  }
0x32: {  	s10 =	sld [smem:$0x3FAB];
	_ =	sdelay $0x3  }
0x33: {  	p0 =	seq.s32 s10, $0x1;
	s10 =	sld [smem:$0x3FAD];
	_ =	sdelay $0x3  }
0x34: {  	[smem:$0x3FAD] =	sst s10  }
0x35: {  	s10 =	sld [smem:$0x3FAC];
	_ =	sdelay $0x3  }
0x36: {  	p1 =	seq.s32 s10, $0x1;
	s10 =	sld [smem:$0x3FAD];
	_ =	sdelay $0x3  }
0x37: {  	[smem:$0x3FAD] =	sst s10  }
0x38: {  	s10 =	sld [smem:$0x3FAE]  }
0x39: {  	_ = 	snop;
	(pc) =	sbr.ind lr, $3  }
0x3a: {  	_ = 	snop  }
0x3b: {  	_ = 	snop  }
0x3c: {  	p2 =	seq.s32 s10, $0x1;
	s10 =	sld [smem:$0x3FAD]  }
0x3d: {  	_ =	shalt  }
0x3e: {  	_ =	shalt  }
0x3f: {  	_ =	shalt  }
0x40: {  	_ =	shalt  }
0x41: {  	_ =	shalt  }
0x42: {  	_ =	shalt  }
0x43: {  	_ =	shalt  }
0x44: {  	_ =	shalt  }
0x45: {  	_ =	shalt  }
0x46: {  	_ =	shalt  }
0x47: {  	_ =	shalt  }
0x48: {  	_ =	shalt  }
0x49: {  	_ =	shalt  }
0x4a: {  	_ =	shalt  }
0x4b: {  	_ =	shalt  }
0x4c: {  	_ =	shalt  }
0x4d: {  	_ =	shalt  }
0x4e: {  	_ =	shalt  }
0x4f: {  	_ =	shalt  }
0x50: {  	_ =	shalt  }
0x51: {  	_ =	shalt  }
0x52: {  	_ =	shalt  }
0x53: {  	_ =	shalt  }
0x54: {  	_ =	shalt  }
0x55: {  	_ =	shalt  }
0x56: {  	_ =	shalt  }
0x57: {  	_ =	shalt  }
0x58: {  	_ =	shalt  }
0x59: {  	_ =	shalt  }
0x5a: {  	_ =	shalt  }
0x5b: {  	_ =	shalt  }
0x5c: {  	_ =	shalt  }
0x5d: {  	_ =	shalt  }
0x5e: {  	_ =	shalt  }
0x5f: {  	_ =	shalt  }
0x60: {  	_ =	shalt  }
0x61: {  	_ =	shalt  }
0x62: {  	_ =	shalt  }
0x63: {  	_ =	shalt  }
0x64: {  	_ =	shalt  }
0x65: {  	_ =	shalt  }
0x66: {  	_ =	shalt  }
0x67: {  	_ =	shalt  }
0x68: {  	_ =	shalt  }
0x69: {  	_ =	shalt  }
0x6a: {  	_ =	shalt  }
0x6b: {  	_ =	shalt  }
0x6c: {  	_ =	shalt  }
0x6d: {  	_ =	shalt  }
0x6e: {  	_ =	shalt  }
0x6f: {  	_ =	shalt  }
0x70: {  	_ =	shalt  }
0x71: {  	_ =	shalt  }
0x72: {  	_ =	shalt  }
0x73: {  	_ =	shalt  }
0x74: {  	_ =	shalt  }
0x75: {  	_ =	shalt  }
0x76: {  	_ =	shalt  }
0x77: {  	_ =	shalt  }
0x78: {  	_ =	shalt  }
0x79: {  	_ =	shalt  }
0x7a: {  	_ =	shalt  }
0x7b: {  	_ =	shalt  }
0x7c: {  	_ =	shalt  }
0x7d: {  	_ =	shalt  }
0x7e: {  	_ =	shalt  }
0x7f: {  	_ =	shalt  }
0x80: {  	_ =	shalt  }
0x81: {  	_ =	shalt  }
0x82: {  	_ =	shalt  }
0x83: {  	_ =	shalt  }
0x84: {  	_ =	shalt  }
0x85: {  	_ =	shalt  }
0x86: {  	_ =	shalt  }
0x87: {  	_ =	shalt  }
.Lfunc_end0:
.L_simem_size_0:
called_computation.1_lowered:
.L_overlay_start_0:
0x88: {  	s2 =	sld [smem:$0x3FD9]  }
0x89: {  	s3 =	sld [smem:$0x3FFE];
	_ =	sdelay $0x1  }
0x8a: {  	s1 =	srdreg.scid  }
0x8b: {  	s0 =	sand.u32 $0x1, s1  }
0x8c: {  	s16 =	sshll.u32 s0, $0xA;
	s2 =	sadd.s32 s3, s2  }
0x8d: {  	s2 =	sadd.s32 s2, s16  }
0x8e: {  	[smem:$0x3FB9] =	sst s2  }
0x8f: {  	_ = 	snop  }
0x90: {  	(tm) =	ssettm $0x1  }
0x91: {  	s17 =	sld [smem:$0x3FFB];
	_ =	sdelay $0x3  }
0x92: {  	_ =	strace s17  }
0x93: {  	s2 =	sld [smem:$0x3FFC];
	_ =	sdelay $0x3  }
0x94: {  	_ =	strace s2  }
0x95: {  	s2 =	sld [smem:$0x3FFD];
	_ =	sdelay $0x3  }
0x96: {  	_ =	strace s2  }
0x97: {  	_ =	strace $0x8FFFFFFF  }
0x98: {  	s18 =	sld [smem:$0x3FDB];
	_ =	sdelay $0x1  }
0x99: {  	s19 =	simm.s32 $_scs_section_size  }
0x9a: {  	s4 =	simm.s32 $_size__tile_overlayer_lowered;
	s5 =	simm.s32 $_tile_overlayer_lowered  }
0x9b: {  	s22 =	simm.s32 $0x1BFF;
	s21 =	sshll.u32 s5, $0x1;
	s2 =	sadd.s32 s19, s18  }
0x9c: {  	s6 =	simm.s32 $0x0;
	s20 =	sshll.u32 s4, $0x1;
	s4 =	sadd.s32 s21, s2  }
0x9d: {  	[timem:s6], [sflag:s22] =	dma.local [hbm:s4], s20  }
0x9e: {  	_ =	swait.ge [sflag:s22], s20  }
0x9f: {  	s3 =	ssub.s32 $0x0, s20;
	[sflag:s22] =	ssyncset.done $0x0  }
0xa0: {  	[sflag:s22] =	ssyncadd.s32 s3;
	_ =	sdelay $0x1  }
0xa1: {  	s23 =	simm.s32 $0x1B8B  }
0xa2: {  	_ =	swait.ge [sflag:s23], $0x1  }
0xa3: {  	[sflag:s23] =	ssyncset.done $0x0  }
0xa4: {  	s25 =	simm.s32 $0x1B8E;
	s24 =	sld [smem:$0x3FFE];
	[sflag:s23] =	ssyncadd.s32 $0xFFFFFFFF  }
0xa5: {  	s26 =	simm.s32 $execute0_lowered;
	[smem:$0x3FD2] =	sst s25  }
0xa6: {  	s4 =	sshll.u32 s26, $0x1;
	_ =	strace $0x80000049;
	[dreg:$0x1] =	wrdreg $0xFFFFFFFF  }
0xa7: {  	s28 =	simm.s32 $_size_execute0_lowered;
	s2 =	sadd.s32 s2, s4;
	[dreg:$0x0] =	wrdreg $0x0  }
0xa8: {  	s4 =	sshll.u32 s28, $0x1;
	[dreg:$0x2] =	wrdreg s2  }
0xa9: {  	[dreg:$0x3] =	wrdreg s4  }
0xaa: {  	[dreg:$0x4] =	wrdreg $0xC0  }
0xab: {  	_ =	task [dreg:s6], $0x5FFFF  }
0xac: {  	[dreg:$0x1] =	wrdreg $0xFFFFFFFF  }
0xad: {  	[dreg:$0x0] =	wrdreg $0x60  }
0xae: {  	[dreg:$0x2] =	wrdreg s24  }
0xaf: {  	[dreg:$0x3] =	wrdreg $0xA8000  }
0xb0: {  	[dreg:$0x4] =	wrdreg $0x9  }
0xb1: {  	_ =	task.clear_ibuf [dreg:s6], $0x5FFFF;
	_ =	strace $0x90000049  }
0xb2: {  	s29 =	simm.s32 $0x9;
	_ =	strace $0x8000004B  }
0xb3: {  	_ =	swait.ge [sflag:s29], $0x1  }
0xb4: {  	[sflag:s29] =	ssyncadd.s32 $0xFFFFFFFF  }
0xb5: {  	_ =	strace $0x9000004B  }
0xb6: {  	_ =	sfence  }
0xb7: {  	s30 =	sld [smem:$0x0];
	_ =	sdelay $0x2  }
0xb8: {  	s31 =	sshll.u32 s1, $0xD;
	s1 =	sshrl.u32 s1, $0x2  }
0xb9: {  	s3 =	sand.u32 $0x4000, s31;
	s1 =	sadd.s32 s1, s30  }
0xba: {  	s0 =	sor.u32 s3, s0;
	s1 =	sshll.u32 s1, $0x11  }
0xbb: {  	s0 =	sor.u32 s1, s0  }
0xbc: {  	s0 =	sadd.s32 $0x8F2B, s0  }
0xbd: {  	[sflag:s0] =	ssyncadd.remote.s32 $0x1  }
0xbe: {  	_ =	sfence.sel $0xFFFF  }
0xbf: {  	[dreg:$0x0] =	wrdreg $0xFFFFFFFF;
	(pc) =	sbr.abs _section_cstart, $3  }
0xc0: {  	[dreg:$0x1] =	wrdreg $0xFFFFFFFF  }
0xc1: {  	_ =	task.clear_ibuf [dreg:s6], $0x2FFFF;
	_ =	strace $0x9FFFFFFF  }
0xc2: {  	(tm) =	ssettm $0x7FFFFFFF  }
0xc3: {  	_ =	shalt  }
tec
execute0_lowered:
.L_overlay_start_1:
0x0: {  	(tag) =	ssettag $0x1  }
0x1: {  	s1 =	srdreg.scid  }
0x2: {  	s0 =	stileid.u32;
	s6 =	rddreg [dreg:$0x0]  }
0x3: {  	s2 =	rddreg [dreg:$0x1];
	s3 =	simm.s32 $0x0;
	s14 =	simm.s32 $0x80  }
0x4: {  	s15 =	simm.s32 $0x2800;
	s16 =	simm.s32 $0x6800;
	s17 =	simm.s32 $0x1  }
0x5: {  	s18 =	simm.s32 $0x2;
	s19 =	simm.s32 $0x3;
	s20 =	simm.s32 $0x4  }
0x6: {  	s21 =	simm.s32 $0x2700;
	s22 =	simm.s32 $0x2780;
	s23 =	simm.s32 $0x0  }
0x7: {  	s5 =	sand.u32 $0x1, s1;
	s29 =	sshll.u32 s0, $0x1;
	s9 =	smul.u32 $0x14000, s0  }
0x8: {  	[smem:$0x7FF] =	sst s3;
	s4 =	sadd.s32 $0xC200, s6;
	s11 =	smul.u32 $0x50000, s0  }
0x9: {  	s12 =	sshll.u32 s0, $0x6;
	s1 =	sor.u32 s5, s29;
	s8 =	smul.u32 $0x140000, s5  }
0xa: {  	s30 =	ssub.s32 $0x2, s5;
	s5 =	sadd.s32 $0x33400, s6;
	s12 =	sor.u32 $0x1C05, s12  }
0xb: {  	s7 =	smul.u32 $0x280, s1;
	s1 =	rddreg [dreg:$0x2];
	_ =	strace $0x8000004A  }
0xc: {  	s10 =	sshrl.u32 s30, $0x1;
	s31 =	sshrl.u32 s11, $0x2;
	s11 =	simm.s32 $0x1400  }
0xd: {  	s8 =	sadd.s32 s9, s8;
	s9 =	ssub.s32 s30, s10;
	s13 =	sadd.s32 s31, s2  }
0xe: {  	s10 =	simm.s32 $0x5;
	s7 =	sadd.s32 s7, s6;
	s8 =	sshrl.u32 s8, $0x3  }
0xf: {  	s9 =	smax.u32 s9, $0x1;
	s13 =	sshrl.u32 s13, $0x3;
	s8 =	sadd.s32 s8, s6  }
0x10: {  	s6 =	sadd.s32 $0x2200, s7;
	s7 =	sadd.s32 $0x7200, s7;
	s8 =	sadd.s32 $0x35C00, s8  }
.LBB2_1:
0x11: {  	[tilespmem:s3], [sflag:$0x5] =	stream.linear.gather [hbm4b:s6+s3], $0x1400, $0x38;
	[tilespmem:$0x1E800] =	vst v63  }
0x12: {  	_ =	swait.ge [sflag:s10], $0x1400  }
0x13: {  	[sflag:s10] =	ssyncset.done $0x0  }
0x14: {  	[sflag:s10] =	ssyncadd.s32 $0xFFFFEC00  }
0x15: {  	[tilespmem:s11], [sflag:$0x5] =	stream.linear.gather [hbm4b:s7+s3], $0x1400, $0x38;
	[tilespmem:$0x1E800] =	vst v63  }
0x16: {  	_ =	swait.ge [sflag:s10], $0x1400  }
0x17: {  	[sflag:s10] =	ssyncset.done $0x0  }
0x18: {  	[sflag:s10] =	ssyncadd.s32 $0xFFFFEC00  }
0x19: {  	[spmem:s13], [sflag:s12] =	dma.local [hbm:s5], $0x2800  }
0x1a: {  	_ =	swait.ge [sflag:s10], $0x2800  }
0x1b: {  	[sflag:s10] =	ssyncset.done $0x0  }
0x1c: {  	[sflag:s10] =	ssyncadd.s32 $0xFFFFD800  }
0x1d: {  	[bflag:$0x0] =	sbarrier.arrive $0xFFFF  }
0x1e: {  	[tilespmem:s15], [sflag:$0x1] =	stream.indirect.gather [hbm4b:s4+s14], $0x80, s3, s14, $0xb8;
	[tilespmem:$0x1E800] =	vst v63  }
0x1f: {  	_ = 	snop  }
0x20: {  	[tilespmem:s16], [sflag:$0x2] =	stream.indirect.gather [hbm4b:s4+s14], $0x80, s14, s14, $0xb8;
	[tilespmem:$0x1E800] =	vst v63  }
0x21: {  	_ =	swait.ge [sflag:s17], $0x4000  }
0x22: {  	[sflag:s17] =	ssyncset.done $0x0  }
0x23: {  	s24 =	simm.s32 $0x1400;
	[sflag:s17] =	ssyncadd.s32 $0xFFFFC000  }
0x24: {  	[spmem:s2] =	stream.indirect.scatter.add.f32 [tilespmem:s15], [sflag:$0x3], $0x80, s24, s14, $0xb8;
	[tilespmem:$0x1E800] =	vst v63  }
0x25: {  	_ =	swait.ge [sflag:s18], $0x4000  }
0x26: {  	[sflag:s18] =	ssyncset.done $0x0  }
0x27: {  	s30 =	simm.s32 $0x1480;
	[sflag:s18] =	ssyncadd.s32 $0xFFFFC000  }
0x28: {  	[spmem:s2] =	stream.indirect.scatter.add.f32 [tilespmem:s16], [sflag:$0x4], $0x80, s30, s14, $0xb8;
	[tilespmem:$0x1E800] =	vst v63  }
0x29: {  	_ =	swait.ge [sflag:s19], $0x4000  }
0x2a: {  	[sflag:s19] =	ssyncset.done $0x0  }
0x2b: {  	s31 =	simm.s32 $0x100;
	[sflag:s19] =	ssyncadd.s32 $0xFFFFC000  }
0x2c: {  	[tilespmem:s15], [sflag:$0x1] =	stream.indirect.gather [hbm4b:s4+s14], $0x80, s31, s14, $0xb8;
	[tilespmem:$0x1E800] =	vst v63  }
0x2d: {  	_ =	swait.ge [sflag:s20], $0x4000  }
0x2e: {  	[sflag:s20] =	ssyncset.done $0x0  }
0x2f: {  	s25 =	simm.s32 $0x180;
	s24 =	simm.s32 $0x400;
	[sflag:s20] =	ssyncadd.s32 $0xFFFFC000  }
.LBB2_2:
0x30: {  	[tilespmem:s16], [sflag:$0x2] =	stream.indirect.gather [hbm4b:s4+s14], $0x80, s25, s14, $0xb8;
	[tilespmem:$0x1E800] =	vst v63  }
0x31: {  	s25 =	smov.u32 s24  }
0x32: {  	p0 =	sne.s32 s24, $0x4800;
	s24 =	sadd.s32 $0x400, s24;
	_ =	swait.ge [sflag:s17], $0x4000  }
0x33: {  	s25 =	sshra.s32 s25, $0x2;
	[sflag:s17] =	ssyncset.done $0x0  }
0x34: {  	s26 =	sadd.s32 $0x1400, s25;
	[sflag:s17] =	ssyncadd.s32 $0xFFFFC000  }
0x35: {  	[spmem:s2] =	stream.indirect.scatter.add.f32 [tilespmem:s15], [sflag:$0x3], $0x80, s26, s14, $0xb8;
	[tilespmem:$0x1E800] =	vst v63  }
0x36: {  	_ =	swait.ge [sflag:s18], $0x4000  }
0x37: {  	[sflag:s18] =	ssyncset.done $0x0  }
0x38: {  	s26 =	sadd.s32 $0x1480, s25;
	[sflag:s18] =	ssyncadd.s32 $0xFFFFC000  }
0x39: {  	[spmem:s2] =	stream.indirect.scatter.add.f32 [tilespmem:s16], [sflag:$0x4], $0x80, s26, s14, $0xb8;
	[tilespmem:$0x1E800] =	vst v63  }
0x3a: {  	_ =	swait.ge [sflag:s19], $0x4000  }
0x3b: {  	[sflag:s19] =	ssyncset.done $0x0  }
.Ltmp0:
0x3c: {  	s26 =	sadd.s32 $0x100, s25;
	[sflag:s19] =	ssyncadd.s32 $0xFFFFC000;
	(pc) =	sbr.rel @p0 .LBB2_2-.Ltmp0, $4  }
0x3d: {  	[tilespmem:s15], [sflag:$0x1] =	stream.indirect.gather [hbm4b:s4+s14], $0x80, s26, s14, $0xb8;
	[tilespmem:$0x1E800] =	vst v63  }
0x3e: {  	_ =	swait.ge [sflag:s20], $0x4000  }
0x3f: {  	[sflag:s20] =	ssyncset.done $0x0  }
0x40: {  	s25 =	sadd.s32 $0x180, s25;
	[sflag:s20] =	ssyncadd.s32 $0xFFFFC000  }
0x41: {  	[tilespmem:s16], [sflag:$0x2] =	stream.indirect.gather [hbm4b:s4+s14], $0x80, s25, s14, $0xb8;
	[tilespmem:$0x1E800] =	vst v63  }
0x42: {  	_ =	swait.ge [sflag:s17], $0x4000  }
0x43: {  	[sflag:s17] =	ssyncset.done $0x0  }
0x44: {  	[sflag:s17] =	ssyncadd.s32 $0xFFFFC000  }
0x45: {  	[spmem:s2] =	stream.indirect.scatter.add.f32 [tilespmem:s15], [sflag:$0x3], $0x80, s21, s14, $0xb8;
	[tilespmem:$0x1E800] =	vst v63  }
0x46: {  	_ =	swait.ge [sflag:s18], $0x4000  }
0x47: {  	[sflag:s18] =	ssyncset.done $0x0  }
0x48: {  	[sflag:s18] =	ssyncadd.s32 $0xFFFFC000  }
0x49: {  	[spmem:s2] =	stream.indirect.scatter.add.f32 [tilespmem:s16], [sflag:$0x4], $0x80, s22, s14, $0xb8;
	[tilespmem:$0x1E800] =	vst v63  }
0x4a: {  	_ =	swait.ge [sflag:s19], $0x4000  }
0x4b: {  	[sflag:s19] =	ssyncset.done $0x0  }
0x4c: {  	[sflag:s19] =	ssyncadd.s32 $0xFFFFC000  }
0x4d: {  	_ =	swait.ge [sflag:s20], $0x4000  }
0x4e: {  	s23 =	sadd.s32 $0x1, s23;
	[sflag:s20] =	ssyncset.done $0x0  }
0x4f: {  	p0 =	sne.s32 s23, s9;
	[sflag:s20] =	ssyncadd.s32 $0xFFFFC000  }
.Ltmp1:
0x50: {  	[bflag:$0x0] =	sbarrier.arrive $0xFFFF;
	(pc) =	sbr.rel @p0 .LBB2_1-.Ltmp1, $4  }
0x51: {  	[hbm:s8], [sflag:s12] =	dma.local [spmem:s13], $0x2800  }
0x52: {  	_ =	swait.ge [sflag:s10], $0x2800  }
0x53: {  	[sflag:s10] =	ssyncset.done $0x0  }
0x54: {  	[sflag:s10] =	ssyncadd.s32 $0xFFFFD800  }
0x55: {  	_ =	sfence.sel $0x180000  }
0x56: {  	[bflag:$0x0] =	sbarrier.arrive $0xFFFF  }
0x57: {  	p0 =	sne.s32 s0, $0x0;
	_ =	strace $0x9000004A  }
0x58: {  	s0 =	sadd.s32 @!p0 $0x100000, s1;
	[bflag:$0x2] =	sbarrier.arrive $0xFFFF  }
0x59: {  	[sflag:s0] =	ssyncadd.tile.s32 @!p0 $0x1;
	_ =	shalt  }
.Lfunc_end2:
_tile_overlayer_lowered:
.L_overlay_start_2:
0x5a: {  	(tag) =	ssettag $0x2  }
0x5b: {  	s0 =	rddreg [dreg:$0x0];
	s2 =	stileid.u32  }
0x5c: {  	s1 =	rddreg [dreg:$0x1];
	p0 =	sne.s32 s2, $0x0  }
0x5d: {  	s3 =	rddreg [dreg:$0x2];
	[bflag:$0x3] =	sbarrier.arrive $0xFFFF;
	s2 =	simm.s32 @!p0 $0x1C05  }
0x5e: {  	[timem:s3], [sflag:s2] =	dma.local @!p0 [hbm:s0], s1  }
0x5f: {  	s0 =	simm.s32 @!p0 $0x5  }
0x60: {  	_ =	swait.ge @!p0 [sflag:s0], s1  }
0x61: {  	s1 =	ssub.s32 @!p0 $0x0, s1;
	[sflag:s0] =	ssyncset.done @!p0 $0x0  }
0x62: {  	[sflag:s0] =	ssyncadd.s32 @!p0 s1  }
0x63: {  	[bflag:$0x3] =	sbarrier.arrive $0xFFFF  }
0x64: {  	_ =	shalt  }

// kernel: kernel.7.cloned.1.call-start
scs
__scs_entry_jumppad:
0x0: {  	(pc) =	sbr.rel $0x88, $3  }
0x1: {  	(tag) =	ssettag $0x0;
	lr =	simm.s32 $0x1  }
0x2: {  	[smem:$0x3F92] =	sst lr;
	_ =	strace $0xD0000000  }
0x3: {  	_ = 	snop  }
0x4: {  	_ = 	snop  }
0x5: {  	_ = 	snop  }
0x6: {  	_ = 	snop  }
0x7: {  	_ = 	snop  }
__scs_overlays_trampoline_lowered:
0x8: {  	[smem:$0x3FA1] =	sst s0  }
0x9: {  	[smem:$0x3FA2] =	sst s1  }
0xa: {  	[smem:$0x3FA3] =	sst s2  }
0xb: {  	[smem:$0x3FA4] =	sst s3  }
0xc: {  	[smem:$0x3FA5] =	sst s4  }
0xd: {  	[smem:$0x3FA6] =	sst s5  }
0xe: {  	[smem:$0x3FA7] =	sst s6  }
0xf: {  	[smem:$0x3FA8] =	sst s7  }
0x10: {  	[smem:$0x3FA9] =	sst s8  }
0x11: {  	[smem:$0x3FAA] =	sst s9;
	s0 =	simm.s32 @!p0 $0x0  }
0x12: {  	s1 =	sld [smem:$0x3F90];
	s0 =	simm.s32 @p0 $0x1  }
0x13: {  	[smem:$0x3FAB] =	sst s0;
	s0 =	simm.s32 @!p1 $0x0  }
0x14: {  	s2 =	sld [smem:$0x3F8F];
	s0 =	simm.s32 @p1 $0x1  }
0x15: {  	[smem:$0x3FAC] =	sst s0;
	s0 =	simm.s32 @!p2 $0x0  }
0x16: {  	s3 =	sld [smem:$0x3FDB];
	s0 =	simm.s32 @p2 $0x1  }
0x17: {  	s4 =	simm.s32 $0x1BF5;
	[smem:$0x3FAE] =	sst s0  }
0x18: {  	s0 =	sld [smem:$0x3F91];
	_ =	swait.ge [sflag:s4], $0x0  }
0x19: {  	s7 =	sld [smem:$0x3F92]  }
0x1a: {  	s8 =	sadd.s32 $0xFFFFE003, lr  }
0x1b: {  	s9 =	sadd.s32 $0xFFFFFEF7, lr;
	s5 =	simm.s32 $0xFFFFFFFF;
	p2 =	slt.u32 s8, $0xFFFFF086  }
0x1c: {  	p1 =	slt.u32 s9, $0xF7A;
	s5 =	simm.s32 @!p2 $0x0  }
0x1d: {  	s5 =	simm.s32 @p1 $0x1;
	p0 =	seq.s32 s7, s2  }
0x1e: {  	s7 =	smul.u32 @!p0 $0xF7A, s2;
	p2 =	seq.s32 @!p0 s5, $0x0  }
0x1f: {  	s9 =	smul.u32 $0xF7A, s1;
	s8 =	simm.s32 @!p0 $0x1BF5;
	p2 =	por !p2, p0  }
0x20: {  	[sflag:s8] =	ssyncset.s32 @!p0 $0xFFFFF086;
	s6 =	sadd.s32 @!p0 s3, s7;
	s7 =	simm.s32 @!p0 $0x108  }
0x21: {  	s3 =	sadd.s32 s3, s9;
	s6 =	sadd.s32 @!p0 $0x88, s6;
	s7 =	simm.s32 @p2 $0x1082  }
0x22: {  	[simem:s7], [sflag:s8] =	dma.local @!p0 [hbm:s6], $0xF7A  }
0x23: {  	s9 =	sor.u32 $0xD0000000, s2;
	s6 =	simm.s32 $0x108;
	_ =	swait.ge @!p0 [sflag:s8], $0x0  }
0x24: {  	s3 =	sadd.s32 $0x88, s3;
	s6 =	simm.s32 @!p1 $0x1082;
	[sflag:s4] =	ssyncset.s32 $0xFFFFF086  }
0x25: {  	[simem:s6], [sflag:s4] =	dma.local [hbm:s3], $0xF7A  }
0x26: {  	[smem:$0x3F92] =	sst s1;
	(tag) =	ssettag s2;
	_ =	strace s9  }
0x27: {  	s1 =	sld [smem:$0x3FA2]  }
0x28: {  	s2 =	sld [smem:$0x3FA3]  }
0x29: {  	s4 =	sld [smem:$0x3FA5]  }
0x2a: {  	p0 =	seq.s32 s5, $0x0;
	s5 =	sld [smem:$0x3FA6]  }
0x2b: {  	s6 =	sld [smem:$0x3FA7]  }
0x2c: {  	s7 =	sld [smem:$0x3FA8]  }
0x2d: {  	s3 =	simm.s32 $0x108;
	s8 =	sld [smem:$0x3FA9]  }
0x2e: {  	s3 =	simm.s32 @!p0 $0x1082;
	s9 =	sld [smem:$0x3FAA]  }
0x2f: {  	lr =	sadd.s32 s0, s3;
	s0 =	sld [smem:$0x3FA1]  }
0x30: {  	s3 =	sld [smem:$0x3FA4]  }
0x31: {  	[smem:$0x3FAD] =	sst s10  }
0x32: {  	s10 =	sld [smem:$0x3FAB];
	_ =	sdelay $0x3  }
0x33: {  	p0 =	seq.s32 s10, $0x1;
	s10 =	sld [smem:$0x3FAD];
	_ =	sdelay $0x3  }
0x34: {  	[smem:$0x3FAD] =	sst s10  }
0x35: {  	s10 =	sld [smem:$0x3FAC];
	_ =	sdelay $0x3  }
0x36: {  	p1 =	seq.s32 s10, $0x1;
	s10 =	sld [smem:$0x3FAD];
	_ =	sdelay $0x3  }
0x37: {  	[smem:$0x3FAD] =	sst s10  }
0x38: {  	s10 =	sld [smem:$0x3FAE]  }
0x39: {  	_ = 	snop;
	(pc) =	sbr.ind lr, $3  }
0x3a: {  	_ = 	snop  }
0x3b: {  	_ = 	snop  }
0x3c: {  	p2 =	seq.s32 s10, $0x1;
	s10 =	sld [smem:$0x3FAD]  }
0x3d: {  	_ =	shalt  }
0x3e: {  	_ =	shalt  }
0x3f: {  	_ =	shalt  }
0x40: {  	_ =	shalt  }
0x41: {  	_ =	shalt  }
0x42: {  	_ =	shalt  }
0x43: {  	_ =	shalt  }
0x44: {  	_ =	shalt  }
0x45: {  	_ =	shalt  }
0x46: {  	_ =	shalt  }
0x47: {  	_ =	shalt  }
0x48: {  	_ =	shalt  }
0x49: {  	_ =	shalt  }
0x4a: {  	_ =	shalt  }
0x4b: {  	_ =	shalt  }
0x4c: {  	_ =	shalt  }
0x4d: {  	_ =	shalt  }
0x4e: {  	_ =	shalt  }
0x4f: {  	_ =	shalt  }
0x50: {  	_ =	shalt  }
0x51: {  	_ =	shalt  }
0x52: {  	_ =	shalt  }
0x53: {  	_ =	shalt  }
0x54: {  	_ =	shalt  }
0x55: {  	_ =	shalt  }
0x56: {  	_ =	shalt  }
0x57: {  	_ =	shalt  }
0x58: {  	_ =	shalt  }
0x59: {  	_ =	shalt  }
0x5a: {  	_ =	shalt  }
0x5b: {  	_ =	shalt  }
0x5c: {  	_ =	shalt  }
0x5d: {  	_ =	shalt  }
0x5e: {  	_ =	shalt  }
0x5f: {  	_ =	shalt  }
0x60: {  	_ =	shalt  }
0x61: {  	_ =	shalt  }
0x62: {  	_ =	shalt  }
0x63: {  	_ =	shalt  }
0x64: {  	_ =	shalt  }
0x65: {  	_ =	shalt  }
0x66: {  	_ =	shalt  }
0x67: {  	_ =	shalt  }
0x68: {  	_ =	shalt  }
0x69: {  	_ =	shalt  }
0x6a: {  	_ =	shalt  }
0x6b: {  	_ =	shalt  }
0x6c: {  	_ =	shalt  }
0x6d: {  	_ =	shalt  }
0x6e: {  	_ =	shalt  }
0x6f: {  	_ =	shalt  }
0x70: {  	_ =	shalt  }
0x71: {  	_ =	shalt  }
0x72: {  	_ =	shalt  }
0x73: {  	_ =	shalt  }
0x74: {  	_ =	shalt  }
0x75: {  	_ =	shalt  }
0x76: {  	_ =	shalt  }
0x77: {  	_ =	shalt  }
0x78: {  	_ =	shalt  }
0x79: {  	_ =	shalt  }
0x7a: {  	_ =	shalt  }
0x7b: {  	_ =	shalt  }
0x7c: {  	_ =	shalt  }
0x7d: {  	_ =	shalt  }
0x7e: {  	_ =	shalt  }
0x7f: {  	_ =	shalt  }
0x80: {  	_ =	shalt  }
0x81: {  	_ =	shalt  }
0x82: {  	_ =	shalt  }
0x83: {  	_ =	shalt  }
0x84: {  	_ =	shalt  }
0x85: {  	_ =	shalt  }
0x86: {  	_ =	shalt  }
0x87: {  	_ =	shalt  }
.Lfunc_end0:
.L_simem_size_0:
called_computation_lowered:
.L_overlay_start_0:
0x88: {  	s2 =	sld [smem:$0x3FD9]  }
0x89: {  	s3 =	sld [smem:$0x3FFE];
	_ =	sdelay $0x1  }
0x8a: {  	s1 =	srdreg.scid  }
0x8b: {  	s0 =	sand.u32 $0x1, s1  }
0x8c: {  	s16 =	sshll.u32 s0, $0xA;
	s2 =	sadd.s32 s3, s2  }
0x8d: {  	s2 =	sadd.s32 s2, s16  }
0x8e: {  	[smem:$0x3FB9] =	sst s2  }
0x8f: {  	_ = 	snop  }
0x90: {  	(tm) =	ssettm $0x1  }
0x91: {  	s17 =	sld [smem:$0x3FFB];
	_ =	sdelay $0x3  }
0x92: {  	_ =	strace s17  }
0x93: {  	s2 =	sld [smem:$0x3FFC];
	_ =	sdelay $0x3  }
0x94: {  	_ =	strace s2  }
0x95: {  	s2 =	sld [smem:$0x3FFD];
	_ =	sdelay $0x3  }
0x96: {  	_ =	strace s2  }
0x97: {  	_ =	strace $0x8FFFFFFF  }
0x98: {  	s18 =	sld [smem:$0x3FDB];
	_ =	sdelay $0x1  }
0x99: {  	s19 =	simm.s32 $_scs_section_size  }
0x9a: {  	s4 =	simm.s32 $_size__tile_overlayer_lowered;
	s5 =	simm.s32 $_tile_overlayer_lowered  }
0x9b: {  	s22 =	simm.s32 $0x1BFF;
	s21 =	sshll.u32 s5, $0x1;
	s2 =	sadd.s32 s19, s18  }
0x9c: {  	s6 =	simm.s32 $0x0;
	s20 =	sshll.u32 s4, $0x1;
	s4 =	sadd.s32 s21, s2  }
0x9d: {  	[timem:s6], [sflag:s22] =	dma.local [hbm:s4], s20  }
0x9e: {  	_ =	swait.ge [sflag:s22], s20  }
0x9f: {  	s3 =	ssub.s32 $0x0, s20;
	[sflag:s22] =	ssyncset.done $0x0  }
0xa0: {  	[sflag:s22] =	ssyncadd.s32 s3;
	_ =	sdelay $0x1  }
0xa1: {  	s23 =	simm.s32 $0x1B8B  }
0xa2: {  	_ =	swait.ge [sflag:s23], $0x1  }
0xa3: {  	[sflag:s23] =	ssyncset.done $0x0  }
0xa4: {  	s25 =	simm.s32 $0x1B8E;
	s24 =	sld [smem:$0x3FFE];
	[sflag:s23] =	ssyncadd.s32 $0xFFFFFFFF  }
0xa5: {  	s26 =	simm.s32 $execute0_lowered;
	[smem:$0x3FD2] =	sst s25  }
0xa6: {  	s4 =	sshll.u32 s26, $0x1;
	_ =	strace $0x80000046;
	[dreg:$0x1] =	wrdreg $0xFFFFFFFF  }
0xa7: {  	s28 =	simm.s32 $_size_execute0_lowered;
	s2 =	sadd.s32 s2, s4;
	[dreg:$0x0] =	wrdreg $0x0  }
0xa8: {  	s4 =	sshll.u32 s28, $0x1;
	[dreg:$0x2] =	wrdreg s2  }
0xa9: {  	[dreg:$0x3] =	wrdreg s4  }
0xaa: {  	[dreg:$0x4] =	wrdreg $0xC0  }
0xab: {  	_ =	task [dreg:s6], $0x5FFFF  }
0xac: {  	[dreg:$0x1] =	wrdreg $0xFFFFFFFF  }
0xad: {  	[dreg:$0x0] =	wrdreg $0x60  }
0xae: {  	[dreg:$0x2] =	wrdreg s24  }
0xaf: {  	[dreg:$0x3] =	wrdreg $0xA8000  }
0xb0: {  	[dreg:$0x4] =	wrdreg $0x9  }
0xb1: {  	_ =	task.clear_ibuf [dreg:s6], $0x5FFFF;
	_ =	strace $0x90000046  }
0xb2: {  	s29 =	simm.s32 $0x9;
	_ =	strace $0x80000048  }
0xb3: {  	_ =	swait.ge [sflag:s29], $0x1  }
0xb4: {  	[sflag:s29] =	ssyncadd.s32 $0xFFFFFFFF  }
0xb5: {  	_ =	strace $0x90000048  }
0xb6: {  	_ =	sfence  }
0xb7: {  	s30 =	sld [smem:$0x0];
	_ =	sdelay $0x2  }
0xb8: {  	s31 =	sshll.u32 s1, $0xD;
	s1 =	sshrl.u32 s1, $0x2  }
0xb9: {  	s3 =	sand.u32 $0x4000, s31;
	s1 =	sadd.s32 s1, s30  }
0xba: {  	s0 =	sor.u32 s3, s0;
	s1 =	sshll.u32 s1, $0x11  }
0xbb: {  	s0 =	sor.u32 s1, s0  }
0xbc: {  	s0 =	sadd.s32 $0x8F2B, s0  }
0xbd: {  	[sflag:s0] =	ssyncadd.remote.s32 $0x1  }
0xbe: {  	_ =	sfence.sel $0xFFFF  }
0xbf: {  	[dreg:$0x0] =	wrdreg $0xFFFFFFFF;
	(pc) =	sbr.abs _section_cstart, $3  }
0xc0: {  	[dreg:$0x1] =	wrdreg $0xFFFFFFFF  }
0xc1: {  	_ =	task.clear_ibuf [dreg:s6], $0x2FFFF;
	_ =	strace $0x9FFFFFFF  }
0xc2: {  	(tm) =	ssettm $0x7FFFFFFF  }
0xc3: {  	_ =	shalt  }
tec
execute0_lowered:
.L_overlay_start_1:
0x0: {  	(tag) =	ssettag $0x1  }
0x1: {  	s1 =	srdreg.scid  }
0x2: {  	s0 =	stileid.u32;
	s6 =	rddreg [dreg:$0x0]  }
0x3: {  	s2 =	rddreg [dreg:$0x1];
	s3 =	simm.s32 $0x0;
	s14 =	simm.s32 $0x80  }
0x4: {  	s15 =	simm.s32 $0x2800;
	s16 =	simm.s32 $0x6800;
	s17 =	simm.s32 $0x1  }
0x5: {  	s18 =	simm.s32 $0x2;
	s19 =	simm.s32 $0x3;
	s20 =	simm.s32 $0x4  }
0x6: {  	s21 =	simm.s32 $0x2700;
	s22 =	simm.s32 $0x2780;
	s23 =	simm.s32 $0x0  }
0x7: {  	s5 =	sand.u32 $0x1, s1;
	s29 =	sshll.u32 s0, $0x1;
	s9 =	smul.u32 $0x14000, s0  }
0x8: {  	[smem:$0x7FF] =	sst s3;
	s4 =	sadd.s32 $0xC200, s6;
	s11 =	smul.u32 $0x50000, s0  }
0x9: {  	s12 =	sshll.u32 s0, $0x6;
	s1 =	sor.u32 s5, s29;
	s8 =	smul.u32 $0x140000, s5  }
0xa: {  	s30 =	ssub.s32 $0x2, s5;
	s5 =	sadd.s32 $0x33400, s6;
	s12 =	sor.u32 $0x1C05, s12  }
0xb: {  	s7 =	smul.u32 $0x280, s1;
	s1 =	rddreg [dreg:$0x2];
	_ =	strace $0x80000047  }
0xc: {  	s10 =	sshrl.u32 s30, $0x1;
	s31 =	sshrl.u32 s11, $0x2;
	s11 =	simm.s32 $0x1400  }
0xd: {  	s8 =	sadd.s32 s9, s8;
	s9 =	ssub.s32 s30, s10;
	s13 =	sadd.s32 s31, s2  }
0xe: {  	s10 =	simm.s32 $0x5;
	s7 =	sadd.s32 s7, s6;
	s8 =	sshrl.u32 s8, $0x3  }
0xf: {  	s9 =	smax.u32 s9, $0x1;
	s13 =	sshrl.u32 s13, $0x3;
	s8 =	sadd.s32 s8, s6  }
0x10: {  	s6 =	sadd.s32 $0x2200, s7;
	s7 =	sadd.s32 $0x7200, s7;
	s8 =	sadd.s32 $0x35C00, s8  }
.LBB2_1:
0x11: {  	[tilespmem:s3], [sflag:$0x5] =	stream.linear.gather [hbm4b:s6+s3], $0x1400, $0x38;
	[tilespmem:$0x1E800] =	vst v63  }
0x12: {  	_ =	swait.ge [sflag:s10], $0x1400  }
0x13: {  	[sflag:s10] =	ssyncset.done $0x0  }
0x14: {  	[sflag:s10] =	ssyncadd.s32 $0xFFFFEC00  }
0x15: {  	[tilespmem:s11], [sflag:$0x5] =	stream.linear.gather [hbm4b:s7+s3], $0x1400, $0x38;
	[tilespmem:$0x1E800] =	vst v63  }
0x16: {  	_ =	swait.ge [sflag:s10], $0x1400  }
0x17: {  	[sflag:s10] =	ssyncset.done $0x0  }
0x18: {  	[sflag:s10] =	ssyncadd.s32 $0xFFFFEC00  }
0x19: {  	[spmem:s13], [sflag:s12] =	dma.local [hbm:s5], $0x2800  }
0x1a: {  	_ =	swait.ge [sflag:s10], $0x2800  }
0x1b: {  	[sflag:s10] =	ssyncset.done $0x0  }
0x1c: {  	[sflag:s10] =	ssyncadd.s32 $0xFFFFD800  }
0x1d: {  	[bflag:$0x0] =	sbarrier.arrive $0xFFFF  }
0x1e: {  	[tilespmem:s15], [sflag:$0x1] =	stream.indirect.gather [hbm4b:s4+s14], $0x80, s3, s14, $0xb8;
	[tilespmem:$0x1E800] =	vst v63  }
0x1f: {  	_ = 	snop  }
0x20: {  	[tilespmem:s16], [sflag:$0x2] =	stream.indirect.gather [hbm4b:s4+s14], $0x80, s14, s14, $0xb8;
	[tilespmem:$0x1E800] =	vst v63  }
0x21: {  	_ =	swait.ge [sflag:s17], $0x4000  }
0x22: {  	[sflag:s17] =	ssyncset.done $0x0  }
0x23: {  	s24 =	simm.s32 $0x1400;
	[sflag:s17] =	ssyncadd.s32 $0xFFFFC000  }
0x24: {  	[spmem:s2] =	stream.indirect.scatter.add.f32 [tilespmem:s15], [sflag:$0x3], $0x80, s24, s14, $0xb8;
	[tilespmem:$0x1E800] =	vst v63  }
0x25: {  	_ =	swait.ge [sflag:s18], $0x4000  }
0x26: {  	[sflag:s18] =	ssyncset.done $0x0  }
0x27: {  	s30 =	simm.s32 $0x1480;
	[sflag:s18] =	ssyncadd.s32 $0xFFFFC000  }
0x28: {  	[spmem:s2] =	stream.indirect.scatter.add.f32 [tilespmem:s16], [sflag:$0x4], $0x80, s30, s14, $0xb8;
	[tilespmem:$0x1E800] =	vst v63  }
0x29: {  	_ =	swait.ge [sflag:s19], $0x4000  }
0x2a: {  	[sflag:s19] =	ssyncset.done $0x0  }
0x2b: {  	s31 =	simm.s32 $0x100;
	[sflag:s19] =	ssyncadd.s32 $0xFFFFC000  }
0x2c: {  	[tilespmem:s15], [sflag:$0x1] =	stream.indirect.gather [hbm4b:s4+s14], $0x80, s31, s14, $0xb8;
	[tilespmem:$0x1E800] =	vst v63  }
0x2d: {  	_ =	swait.ge [sflag:s20], $0x4000  }
0x2e: {  	[sflag:s20] =	ssyncset.done $0x0  }
0x2f: {  	s25 =	simm.s32 $0x180;
	s24 =	simm.s32 $0x400;
	[sflag:s20] =	ssyncadd.s32 $0xFFFFC000  }
.LBB2_2:
0x30: {  	[tilespmem:s16], [sflag:$0x2] =	stream.indirect.gather [hbm4b:s4+s14], $0x80, s25, s14, $0xb8;
	[tilespmem:$0x1E800] =	vst v63  }
0x31: {  	s25 =	smov.u32 s24  }
0x32: {  	p0 =	sne.s32 s24, $0x4800;
	s24 =	sadd.s32 $0x400, s24;
	_ =	swait.ge [sflag:s17], $0x4000  }
0x33: {  	s25 =	sshra.s32 s25, $0x2;
	[sflag:s17] =	ssyncset.done $0x0  }
0x34: {  	s26 =	sadd.s32 $0x1400, s25;
	[sflag:s17] =	ssyncadd.s32 $0xFFFFC000  }
0x35: {  	[spmem:s2] =	stream.indirect.scatter.add.f32 [tilespmem:s15], [sflag:$0x3], $0x80, s26, s14, $0xb8;
	[tilespmem:$0x1E800] =	vst v63  }
0x36: {  	_ =	swait.ge [sflag:s18], $0x4000  }
0x37: {  	[sflag:s18] =	ssyncset.done $0x0  }
0x38: {  	s26 =	sadd.s32 $0x1480, s25;
	[sflag:s18] =	ssyncadd.s32 $0xFFFFC000  }
0x39: {  	[spmem:s2] =	stream.indirect.scatter.add.f32 [tilespmem:s16], [sflag:$0x4], $0x80, s26, s14, $0xb8;
	[tilespmem:$0x1E800] =	vst v63  }
0x3a: {  	_ =	swait.ge [sflag:s19], $0x4000  }
0x3b: {  	[sflag:s19] =	ssyncset.done $0x0  }
.Ltmp0:
0x3c: {  	s26 =	sadd.s32 $0x100, s25;
	[sflag:s19] =	ssyncadd.s32 $0xFFFFC000;
	(pc) =	sbr.rel @p0 .LBB2_2-.Ltmp0, $4  }
0x3d: {  	[tilespmem:s15], [sflag:$0x1] =	stream.indirect.gather [hbm4b:s4+s14], $0x80, s26, s14, $0xb8;
	[tilespmem:$0x1E800] =	vst v63  }
0x3e: {  	_ =	swait.ge [sflag:s20], $0x4000  }
0x3f: {  	[sflag:s20] =	ssyncset.done $0x0  }
0x40: {  	s25 =	sadd.s32 $0x180, s25;
	[sflag:s20] =	ssyncadd.s32 $0xFFFFC000  }
0x41: {  	[tilespmem:s16], [sflag:$0x2] =	stream.indirect.gather [hbm4b:s4+s14], $0x80, s25, s14, $0xb8;
	[tilespmem:$0x1E800] =	vst v63  }
0x42: {  	_ =	swait.ge [sflag:s17], $0x4000  }
0x43: {  	[sflag:s17] =	ssyncset.done $0x0  }
0x44: {  	[sflag:s17] =	ssyncadd.s32 $0xFFFFC000  }
0x45: {  	[spmem:s2] =	stream.indirect.scatter.add.f32 [tilespmem:s15], [sflag:$0x3], $0x80, s21, s14, $0xb8;
	[tilespmem:$0x1E800] =	vst v63  }
0x46: {  	_ =	swait.ge [sflag:s18], $0x4000  }
0x47: {  	[sflag:s18] =	ssyncset.done $0x0  }
0x48: {  	[sflag:s18] =	ssyncadd.s32 $0xFFFFC000  }
0x49: {  	[spmem:s2] =	stream.indirect.scatter.add.f32 [tilespmem:s16], [sflag:$0x4], $0x80, s22, s14, $0xb8;
	[tilespmem:$0x1E800] =	vst v63  }
0x4a: {  	_ =	swait.ge [sflag:s19], $0x4000  }
0x4b: {  	[sflag:s19] =	ssyncset.done $0x0  }
0x4c: {  	[sflag:s19] =	ssyncadd.s32 $0xFFFFC000  }
0x4d: {  	_ =	swait.ge [sflag:s20], $0x4000  }
0x4e: {  	s23 =	sadd.s32 $0x1, s23;
	[sflag:s20] =	ssyncset.done $0x0  }
0x4f: {  	p0 =	sne.s32 s23, s9;
	[sflag:s20] =	ssyncadd.s32 $0xFFFFC000  }
.Ltmp1:
0x50: {  	[bflag:$0x0] =	sbarrier.arrive $0xFFFF;
	(pc) =	sbr.rel @p0 .LBB2_1-.Ltmp1, $4  }
0x51: {  	[hbm:s8], [sflag:s12] =	dma.local [spmem:s13], $0x2800  }
0x52: {  	_ =	swait.ge [sflag:s10], $0x2800  }
0x53: {  	[sflag:s10] =	ssyncset.done $0x0  }
0x54: {  	[sflag:s10] =	ssyncadd.s32 $0xFFFFD800  }
0x55: {  	_ =	sfence.sel $0x180000  }
0x56: {  	[bflag:$0x0] =	sbarrier.arrive $0xFFFF  }
0x57: {  	p0 =	sne.s32 s0, $0x0;
	_ =	strace $0x90000047  }
0x58: {  	s0 =	sadd.s32 @!p0 $0x100000, s1;
	[bflag:$0x2] =	sbarrier.arrive $0xFFFF  }
0x59: {  	[sflag:s0] =	ssyncadd.tile.s32 @!p0 $0x1;
	_ =	shalt  }
.Lfunc_end2:
_tile_overlayer_lowered:
.L_overlay_start_2:
0x5a: {  	(tag) =	ssettag $0x2  }
0x5b: {  	s0 =	rddreg [dreg:$0x0];
	s2 =	stileid.u32  }
0x5c: {  	s1 =	rddreg [dreg:$0x1];
	p0 =	sne.s32 s2, $0x0  }
0x5d: {  	s3 =	rddreg [dreg:$0x2];
	[bflag:$0x3] =	sbarrier.arrive $0xFFFF;
	s2 =	simm.s32 @!p0 $0x1C05  }
0x5e: {  	[timem:s3], [sflag:s2] =	dma.local @!p0 [hbm:s0], s1  }
0x5f: {  	s0 =	simm.s32 @!p0 $0x5  }
0x60: {  	_ =	swait.ge @!p0 [sflag:s0], s1  }
0x61: {  	s1 =	ssub.s32 @!p0 $0x0, s1;
	[sflag:s0] =	ssyncset.done @!p0 $0x0  }
0x62: {  	[sflag:s0] =	ssyncadd.s32 @!p0 s1  }
0x63: {  	[bflag:$0x3] =	sbarrier.arrive $0xFFFF  }
0x64: {  	_ =	shalt  }

</sc_bundles>
